<compile_context>
chip_gen: v7x
topology: tpu7x:2x2x1
jax: 0.10.2.dev20260603
libtpu: 0.0.44.dev20260713+nightly
codegen_flags: <defaults>
</compile_context>

<pallas_src>
import functools
from itertools import combinations

import jax
import jax.numpy as jnp
import numpy as np
from jax import lax
from jax.experimental import pallas as pl
from jax.experimental.pallas import tpu as pltpu
from jax.experimental.pallas import tpu_sc as plsc

FIELDS = 26
FPAD = 32
VOCAB = 1000
EMB = 128
BATCH = 16384
DENSE = 13
HID = 512
NPAIRS = 325

SLICES = (4096, 4096, 4096, 4096)
NWORKERS = 32
CHUNK = 128

_PAIRS_NP = np.array(list(combinations(range(FIELDS), 2)), dtype=np.int32)


def _sc_gather(tables_flat, idx3):
    nchunk = idx3.shape[1]
    rows_w = nchunk * CHUNK
    mesh = plsc.VectorSubcoreMesh(core_axis_name="c", subcore_axis_name="s")

    @functools.partial(
        pl.kernel,
        mesh=mesh,
        out_type=jax.ShapeDtypeStruct((NWORKERS * rows_w, EMB), jnp.float32),
        scratch_types=[
            pltpu.VMEM((nchunk, CHUNK), jnp.int32),
            pltpu.VMEM((CHUNK, EMB), jnp.float32),
            pltpu.VMEM((CHUNK, EMB), jnp.float32),
            pltpu.SemaphoreType.DMA,
            pltpu.SemaphoreType.DMA,
        ],
    )
    def k(tab_hbm, idx_hbm, out_hbm, idx_v, rows_a, rows_b, sem_a, sem_b):
        wid = lax.axis_index("s") * 2 + lax.axis_index("c")
        pltpu.sync_copy(idx_hbm.at[wid], idx_v)
        base = wid * rows_w

        pltpu.async_copy(tab_hbm.at[idx_v.at[0]], rows_a, sem_a)

        def body(j, _):
            buf_j = jnp.remainder(j, 2)

            @pl.when(jnp.logical_and(j + 1 < nchunk, buf_j == 0))
            def _():
                pltpu.async_copy(tab_hbm.at[idx_v.at[j + 1]], rows_b, sem_b)

            @pl.when(jnp.logical_and(j + 1 < nchunk, buf_j == 1))
            def _():
                pltpu.async_copy(tab_hbm.at[idx_v.at[j + 1]], rows_a, sem_a)

            @pl.when(buf_j == 0)
            def _():
                pltpu.make_async_copy(tab_hbm.at[idx_v.at[0]], rows_a, sem_a).wait()
                pltpu.sync_copy(rows_a, out_hbm.at[pl.ds(base + j * CHUNK, CHUNK)])

            @pl.when(buf_j == 1)
            def _():
                pltpu.make_async_copy(tab_hbm.at[idx_v.at[0]], rows_b, sem_b).wait()
                pltpu.sync_copy(rows_b, out_hbm.at[pl.ds(base + j * CHUNK, CHUNK)])

            return 0

        lax.fori_loop(0, nchunk, body, 0)

    return k(tables_flat, idx3)


def _tc_compute(embs3, xv, w1g, w1x, b1, wout_t, bout):
    BT = 512
    bs = xv.shape[0]
    grid = (bs // BT,)

    def body(e_ref, xv_ref, w1g_ref, w1x_ref, b1_ref, wout_ref, bout_ref, o_ref):
        e = e_ref[...].reshape(BT, FIELDS, EMB)
        gram = lax.dot_general(
            e, e, (((2,), (2,)), ((0,), (0,))),
            preferred_element_type=jnp.float32,
        )
        g = gram.reshape(BT, FIELDS * FIELDS)
        h = (
            jnp.dot(g, w1g_ref[...], preferred_element_type=jnp.float32)
            + jnp.dot(xv_ref[...], w1x_ref[...], preferred_element_type=jnp.float32)
            + b1_ref[...]
        )
        h = jnp.maximum(h, 0.0)
        o_ref[...] = (
            jnp.dot(h, wout_ref[...], preferred_element_type=jnp.float32)
            + bout_ref[...]
        )

    return pl.pallas_call(
        body,
        grid=grid,
        in_specs=[
            pl.BlockSpec((BT * FIELDS, EMB), lambda i: (i, 0)),
            pl.BlockSpec((BT, DENSE), lambda i: (i, 0)),
            pl.BlockSpec((FIELDS * FIELDS, HID), lambda i: (0, 0)),
            pl.BlockSpec((DENSE, HID), lambda i: (0, 0)),
            pl.BlockSpec((1, HID), lambda i: (0, 0)),
            pl.BlockSpec((HID, 1), lambda i: (0, 0)),
            pl.BlockSpec((1, 1), lambda i: (0, 0)),
        ],
        out_specs=pl.BlockSpec((BT, 1), lambda i: (i, 0)),
        out_shape=jax.ShapeDtypeStruct((bs, 1), jnp.float32),
    )(embs3, xv, w1g, w1x, b1, wout_t, bout)


def kernel(xv, xi, emb_tables, W1, b1, Wout, bout):
    tables_flat = emb_tables.reshape(FIELDS * VOCAB, EMB)
    idx = xi + jnp.arange(FIELDS, dtype=jnp.int32)[None, :] * VOCAB
    idx_flat = idx.reshape(BATCH * FIELDS)

    ii = jnp.asarray(_PAIRS_NP[:, 0])
    jj = jnp.asarray(_PAIRS_NP[:, 1])
    w1g = (
        jnp.zeros((FIELDS * FIELDS, HID), jnp.float32)
        .at[ii * FIELDS + jj]
        .set(W1[:, :NPAIRS].T)
    )
    w1x = W1[:, NPAIRS:].T
    b1r = b1.reshape(1, HID)
    wout_t = Wout.T
    boutr = bout.reshape(1, 1)

    outs = []
    off = 0
    for bs in SLICES:
        nchunk = bs * FIELDS // (NWORKERS * CHUNK)
        idx3 = idx_flat[off * FIELDS : (off + bs) * FIELDS].reshape(
            NWORKERS, nchunk, CHUNK
        )
        embs3 = _sc_gather(tables_flat, idx3)
        outs.append(
            _tc_compute(embs3, xv[off : off + bs], w1g, w1x, b1r, wout_t, boutr)
        )
        off += bs
    return jnp.concatenate(outs, axis=0)

# --- scband reference (transcript-rebuilt; emitter-appended) ---
"""Pipeline reference for scband-deep-qi-24257975288279 (READ-ONLY COPY).

The authoritative reference and input builder live on the scoring server;
editing this copy changes nothing except your own understanding.
"""

import jax, jax.numpy as jnp
import numpy as np
from itertools import combinations

FIELDS = 26
VOCAB = 1000
EMB = 128
B = 16384
DENSE = 13
H = 512

_PAIRS = np.array(list(combinations(range(FIELDS), 2)), dtype=np.int32)  # [325, 2]


def setup_inputs(seed: int = 0) -> dict:
    key = jax.random.key(seed)
    ks = jax.random.split(key, 8)
    xv = jax.random.normal(ks[0], (B, DENSE), dtype=jnp.float32)
    xi = jax.random.randint(ks[1], (B, FIELDS), 0, VOCAB, dtype=jnp.int32)
    emb_tables = jax.random.normal(ks[2], (FIELDS, VOCAB, EMB), dtype=jnp.float32) * 0.05
    n_pairs = _PAIRS.shape[0]
    W1 = jax.random.normal(ks[3], (H, DENSE + n_pairs), dtype=jnp.float32) * 0.05
    b1 = jnp.zeros((H,), dtype=jnp.float32)
    Wout = jax.random.normal(ks[4], (1, H), dtype=jnp.float32) * 0.05
    bout = jnp.zeros((1,), dtype=jnp.float32)
    return {"xv": xv, "xi": xi, "emb_tables": emb_tables, "W1": W1, "b1": b1, "Wout": Wout, "bout": bout}


def reference(xv, xi, emb_tables, W1, b1, Wout, bout):
    ii = jnp.asarray(_PAIRS[:, 0])
    jj = jnp.asarray(_PAIRS[:, 1])
    # per-field embedding lookup: embs[f] = emb_tables[f][xi[:, f]] -> [FIELDS, B, EMB]
    embs = jax.vmap(lambda tbl, idx: jnp.take(tbl, idx, axis=0), in_axes=(0, 1))(emb_tables, xi)
    # pairwise inner products (second-order FM interactions)
    gram = jnp.einsum('ibd,jbd->bij', embs, embs)  # [B, FIELDS, FIELDS]
    qi = gram[:, ii, jj]  # [B, 325], equals (embs[i]*embs[j]).sum(-1) per pair
    h = jnp.concatenate([qi, xv], axis=1)  # [B, 325 + DENSE]
    h = jnp.maximum(h @ W1.T + b1, 0.0)  # lin1 + relu (dropout p=0.0 -> identity)
    out = h @ Wout.T + bout  # [B, 1]
    return out

if __name__ == "__main__":
    import jax
    _d = setup_inputs()
    print(jax.jit(kernel)(*tuple(_d.values())))

</pallas_src>

<mosaic_0001>
#map = affine_map<(d0, d1) -> (0, 0)>
#map1 = affine_map<(d0, d1) -> (0, 0, 0)>
module attributes {stable_mosaic.version = 14 : i64} {
  func.func @k(%arg0: i32, %arg1: i32, %arg2: memref<26000x128xf32, #tpu.memory_space<hbm>>, %arg3: memref<32x26x128xi32, #tpu.memory_space<hbm>>, %arg4: memref<106496x128xf32, #tpu.memory_space<hbm>>, %arg5: memref<26x128xi32, #tpu.memory_space<vmem>>, %arg6: memref<128x128xf32, #tpu.memory_space<vmem>>, %arg7: memref<128x128xf32, #tpu.memory_space<vmem>>, %arg8: memref<!tpu.dma_semaphore, #tpu.memory_space<semaphore_mem>>, %arg9: memref<!tpu.dma_semaphore, #tpu.memory_space<semaphore_mem>>) attributes {dimension_semantics = [#tpu.dimension_semantics<core_parallel>, #tpu.dimension_semantics<subcore_parallel>], iteration_bounds = array<i64: 2, 16>, scalar_prefetch = 0 : i64, scratch_operands = 5 : i64, tpu.core_type = #tpu.core_type<sc_vector_subcore>, window_params = [{transform_indices = #map}, {transform_indices = #map1}, {transform_indices = #map}]} {
    %mul3A = arith.constant 2 : i32
    %mul3A_0 = arith.muli %arg1, %mul3A : i32
    %add3A = arith.addi %mul3A_0, %arg0 : i32
    "tpu.region"() ({
      %run_scoped3A = tpu.sem_alloc : memref<!tpu.dma_semaphore, #tpu.memory_space<semaphore_mem>>
      %dma_start3A_15 = arith.constant 0 : i32
      %dma_start3A_16 = arith.constant 0 : i32
      %dma_start3A_17 = tpu.memref_slice %arg3[%add3A, %dma_start3A_15, %dma_start3A_16] : memref<32x26x128xi32, #tpu.memory_space<hbm>> -> memref<1x26x128xi32, #tpu.memory_space<hbm>>
      %dma_start3A_18 = tpu.memref_squeeze %dma_start3A_17 : memref<1x26x128xi32, #tpu.memory_space<hbm>> -> memref<26x128xi32, #tpu.memory_space<hbm>>
      %dma_start3A_19 = arith.constant 0 : i32
      %dma_start3A_20 = arith.constant 0 : i32
      %dma_start3A_21 = tpu.memref_slice %arg3[%add3A, %dma_start3A_19, %dma_start3A_20] : memref<32x26x128xi32, #tpu.memory_space<hbm>> -> memref<1x26x128xi32, #tpu.memory_space<hbm>>
      %dma_start3A_22 = tpu.memref_squeeze %dma_start3A_21 : memref<1x26x128xi32, #tpu.memory_space<hbm>> -> memref<26x128xi32, #tpu.memory_space<hbm>>
      tpu.enqueue_dma source(%dma_start3A_22 : memref<26x128xi32, #tpu.memory_space<hbm>>) target(%arg5 : memref<26x128xi32, #tpu.memory_space<vmem>>) target_semaphore(%run_scoped3A : memref<!tpu.dma_semaphore, #tpu.memory_space<semaphore_mem>>)
      %dma_wait3A = arith.constant 0 : i32
      %dma_wait3A_23 = arith.constant 0 : i32
      %dma_wait3A_24 = tpu.memref_slice %arg3[%add3A, %dma_wait3A, %dma_wait3A_23] : memref<32x26x128xi32, #tpu.memory_space<hbm>> -> memref<1x26x128xi32, #tpu.memory_space<hbm>>
      %dma_wait3A_25 = tpu.memref_squeeze %dma_wait3A_24 : memref<1x26x128xi32, #tpu.memory_space<hbm>> -> memref<26x128xi32, #tpu.memory_space<hbm>>
      %dma_wait3A_26 = arith.constant 0 : i32
      %dma_wait3A_27 = arith.constant 0 : i32
      %dma_wait3A_28 = tpu.memref_slice %arg3[%add3A, %dma_wait3A_26, %dma_wait3A_27] : memref<32x26x128xi32, #tpu.memory_space<hbm>> -> memref<1x26x128xi32, #tpu.memory_space<hbm>>
      %dma_wait3A_29 = tpu.memref_squeeze %dma_wait3A_28 : memref<1x26x128xi32, #tpu.memory_space<hbm>> -> memref<26x128xi32, #tpu.memory_space<hbm>>
      tpu.wait_dma2 semaphore(%run_scoped3A : memref<!tpu.dma_semaphore, #tpu.memory_space<semaphore_mem>>) src(%dma_wait3A_29 : memref<26x128xi32, #tpu.memory_space<hbm>>) dst(%arg5 : memref<26x128xi32, #tpu.memory_space<vmem>>)
      tpu.yield
    }) : () -> ()
    %mul3A_1 = arith.constant 3328 : i32
    %mul3A_2 = arith.muli %add3A, %mul3A_1 : i32
    %dma_start3A = arith.constant 0 : i32
    %dma_start3A_3 = arith.constant 0 : i32
    %dma_start3A_4 = tpu.memref_slice %arg5[%dma_start3A, %dma_start3A_3] : memref<26x128xi32, #tpu.memory_space<vmem>> -> memref<1x128xi32, #tpu.memory_space<vmem>>
    %dma_start3A_5 = tpu.memref_squeeze %dma_start3A_4 : memref<1x128xi32, #tpu.memory_space<vmem>> -> memref<128xi32, #tpu.memory_space<vmem>>
    %dma_start3A_6 = arith.constant 0 : i32
    %dma_start3A_7 = arith.constant 0 : i32
    %dma_start3A_8 = tpu.memref_slice %arg2[%dma_start3A_6, %dma_start3A_7] : memref<26000x128xf32, #tpu.memory_space<hbm>> -> memref<26000x128xf32, #tpu.memory_space<hbm>>
    tpu.enqueue_indirect_dma source(%dma_start3A_8 : memref<26000x128xf32, #tpu.memory_space<hbm>>) target(%arg6 : memref<128x128xf32, #tpu.memory_space<vmem>>) offsets(%dma_start3A_5 : memref<128xi32, #tpu.memory_space<vmem>>) semaphore(%arg8 : memref<!tpu.dma_semaphore, #tpu.memory_space<semaphore_mem>>)
    %scan3A = arith.constant 0 : i32
    %scan3A_9 = arith.constant 0 : i32
    %scan3A_10 = arith.constant 26 : i32
    %scan3A_11 = arith.addi %scan3A_9, %scan3A_10 : i32
    %scan3A_12 = arith.constant 1 : i32
    %scan3A_13 = scf.for %scan3A_15 = %scan3A_9 to %scan3A_11 step %scan3A_12 iter_args(%scan3A_16 = %scan3A) -> (i32)  : i32 {
      %jit3A = arith.constant 2 : i32
      %eq3A = arith.constant 0 : i32
      %eq3A_17 = arith.cmpi eq, %jit3A, %eq3A : i32
      %jit3A_18 = arith.constant 1 : i32
      %select_n3A = arith.select %eq3A_17, %jit3A_18, %jit3A : i32
      %rem3A = arith.remsi %scan3A_15, %select_n3A : i32
      %ne3A = arith.constant 0 : i32
      %ne3A_19 = arith.cmpi ne, %rem3A, %ne3A : i32
      %lt3A = arith.constant 0 : i32
      %lt3A_20 = arith.cmpi slt, %rem3A, %lt3A : i32
      %lt3A_21 = arith.constant 0 : i32
      %lt3A_22 = arith.cmpi slt, %select_n3A, %lt3A_21 : i32
      %ne3A_23 = arith.xori %lt3A_20, %lt3A_22 : i1
      %and3A = arith.andi %ne3A_23, %ne3A_19 : i1
      %add3A_24 = arith.addi %rem3A, %select_n3A : i32
      %select_n3A_25 = arith.select %and3A, %add3A_24, %rem3A : i32
      %add3A_26 = arith.constant 1 : i32
      %add3A_27 = arith.addi %scan3A_15, %add3A_26 : i32
      %lt3A_28 = arith.constant 26 : i32
      %lt3A_29 = arith.cmpi slt, %add3A_27, %lt3A_28 : i32
      %eq3A_30 = arith.constant 0 : i32
      %eq3A_31 = arith.cmpi eq, %select_n3A_25, %eq3A_30 : i32
      %and3A_32 = arith.andi %lt3A_29, %eq3A_31 : i1
      %convert_element_type3A = arith.extui %and3A_32 : i1 to i32
      %cond3A = arith.constant 0 : i32
      %cond3A_33 = arith.cmpi ne, %convert_element_type3A, %cond3A : i32
      scf.if %cond3A_33 {
        %add3A_55 = arith.constant 1 : i32
        %add3A_56 = arith.addi %scan3A_15, %add3A_55 : i32
        %dma_start3A_57 = arith.constant 0 : i32
        %dma_start3A_58 = tpu.memref_slice %arg5[%add3A_56, %dma_start3A_57] : memref<26x128xi32, #tpu.memory_space<vmem>> -> memref<1x128xi32, #tpu.memory_space<vmem>>
        %dma_start3A_59 = tpu.memref_squeeze %dma_start3A_58 : memref<1x128xi32, #tpu.memory_space<vmem>> -> memref<128xi32, #tpu.memory_space<vmem>>
        %dma_start3A_60 = arith.constant 0 : i32
        %dma_start3A_61 = arith.constant 0 : i32
        %dma_start3A_62 = tpu.memref_slice %arg2[%dma_start3A_60, %dma_start3A_61] : memref<26000x128xf32, #tpu.memory_space<hbm>> -> memref<26000x128xf32, #tpu.memory_space<hbm>>
        tpu.enqueue_indirect_dma source(%dma_start3A_62 : memref<26000x128xf32, #tpu.memory_space<hbm>>) target(%arg7 : memref<128x128xf32, #tpu.memory_space<vmem>>) offsets(%dma_start3A_59 : memref<128xi32, #tpu.memory_space<vmem>>) semaphore(%arg9 : memref<!tpu.dma_semaphore, #tpu.memory_space<semaphore_mem>>)
      } else {
      }
      %add3A_34 = arith.constant 1 : i32
      %add3A_35 = arith.addi %scan3A_15, %add3A_34 : i32
      %lt3A_36 = arith.constant 26 : i32
      %lt3A_37 = arith.cmpi slt, %add3A_35, %lt3A_36 : i32
      %eq3A_38 = arith.constant 1 : i32
      %eq3A_39 = arith.cmpi eq, %select_n3A_25, %eq3A_38 : i32
      %and3A_40 = arith.andi %lt3A_37, %eq3A_39 : i1
      %convert_element_type3A_41 = arith.extui %and3A_40 : i1 to i32
      %cond3A_42 = arith.constant 0 : i32
      %cond3A_43 = arith.cmpi ne, %convert_element_type3A_41, %cond3A_42 : i32
      scf.if %cond3A_43 {
        %add3A_55 = arith.constant 1 : i32
        %add3A_56 = arith.addi %scan3A_15, %add3A_55 : i32
        %dma_start3A_57 = arith.constant 0 : i32
        %dma_start3A_58 = tpu.memref_slice %arg5[%add3A_56, %dma_start3A_57] : memref<26x128xi32, #tpu.memory_space<vmem>> -> memref<1x128xi32, #tpu.memory_space<vmem>>
        %dma_start3A_59 = tpu.memref_squeeze %dma_start3A_58 : memref<1x128xi32, #tpu.memory_space<vmem>> -> memref<128xi32, #tpu.memory_space<vmem>>
        %dma_start3A_60 = arith.constant 0 : i32
        %dma_start3A_61 = arith.constant 0 : i32
        %dma_start3A_62 = tpu.memref_slice %arg2[%dma_start3A_60, %dma_start3A_61] : memref<26000x128xf32, #tpu.memory_space<hbm>> -> memref<26000x128xf32, #tpu.memory_space<hbm>>
        tpu.enqueue_indirect_dma source(%dma_start3A_62 : memref<26000x128xf32, #tpu.memory_space<hbm>>) target(%arg6 : memref<128x128xf32, #tpu.memory_space<vmem>>) offsets(%dma_start3A_59 : memref<128xi32, #tpu.memory_space<vmem>>) semaphore(%arg8 : memref<!tpu.dma_semaphore, #tpu.memory_space<semaphore_mem>>)
      } else {
      }
      %eq3A_44 = arith.constant 0 : i32
      %eq3A_45 = arith.cmpi eq, %select_n3A_25, %eq3A_44 : i32
      %convert_element_type3A_46 = arith.extui %eq3A_45 : i1 to i32
      %cond3A_47 = arith.constant 0 : i32
      %cond3A_48 = arith.cmpi ne, %convert_element_type3A_46, %cond3A_47 : i32
      scf.if %cond3A_48 {
        %dma_wait3A = arith.constant 0 : i32
        %dma_wait3A_55 = arith.constant 0 : i32
        %dma_wait3A_56 = tpu.memref_slice %arg5[%dma_wait3A, %dma_wait3A_55] : memref<26x128xi32, #tpu.memory_space<vmem>> -> memref<1x128xi32, #tpu.memory_space<vmem>>
        %dma_wait3A_57 = tpu.memref_squeeze %dma_wait3A_56 : memref<1x128xi32, #tpu.memory_space<vmem>> -> memref<128xi32, #tpu.memory_space<vmem>>
        %dma_wait3A_58 = arith.constant 0 : i32
        %dma_wait3A_59 = arith.constant 0 : i32
        %dma_wait3A_60 = tpu.memref_slice %arg2[%dma_wait3A_58, %dma_wait3A_59] : memref<26000x128xf32, #tpu.memory_space<hbm>> -> memref<26000x128xf32, #tpu.memory_space<hbm>>
        tpu.wait_indirect_dma semaphore(%arg8 : memref<!tpu.dma_semaphore, #tpu.memory_space<semaphore_mem>>) src(%dma_wait3A_60 : memref<26000x128xf32, #tpu.memory_space<hbm>>) dst(%arg6 : memref<128x128xf32, #tpu.memory_space<vmem>>)
        %mul3A_61 = arith.constant 128 : i32
        %mul3A_62 = arith.muli %scan3A_15, %mul3A_61 : i32
        %add3A_63 = arith.addi %mul3A_2, %mul3A_62 : i32
        "tpu.region"() ({
          %run_scoped3A = tpu.sem_alloc : memref<!tpu.dma_semaphore, #tpu.memory_space<semaphore_mem>>
          %dma_start3A_64 = arith.constant 0 : i32
          %dma_start3A_65 = tpu.memref_slice %arg4[%add3A_63, %dma_start3A_64] : memref<106496x128xf32, #tpu.memory_space<hbm>> -> memref<128x128xf32, #tpu.memory_space<hbm>>
          %dma_start3A_66 = arith.constant 0 : i32
          %dma_start3A_67 = tpu.memref_slice %arg4[%add3A_63, %dma_start3A_66] : memref<106496x128xf32, #tpu.memory_space<hbm>> -> memref<128x128xf32, #tpu.memory_space<hbm>>
          tpu.enqueue_dma source(%arg6 : memref<128x128xf32, #tpu.memory_space<vmem>>) target(%dma_start3A_67 : memref<128x128xf32, #tpu.memory_space<hbm>>) target_semaphore(%run_scoped3A : memref<!tpu.dma_semaphore, #tpu.memory_space<semaphore_mem>>)
          %dma_wait3A_68 = arith.constant 0 : i32
          %dma_wait3A_69 = tpu.memref_slice %arg4[%add3A_63, %dma_wait3A_68] : memref<106496x128xf32, #tpu.memory_space<hbm>> -> memref<128x128xf32, #tpu.memory_space<hbm>>
          %dma_wait3A_70 = arith.constant 0 : i32
          %dma_wait3A_71 = tpu.memref_slice %arg4[%add3A_63, %dma_wait3A_70] : memref<106496x128xf32, #tpu.memory_space<hbm>> -> memref<128x128xf32, #tpu.memory_space<hbm>>
          tpu.wait_dma2 semaphore(%run_scoped3A : memref<!tpu.dma_semaphore, #tpu.memory_space<semaphore_mem>>) src(%arg6 : memref<128x128xf32, #tpu.memory_space<vmem>>) dst(%dma_wait3A_71 : memref<128x128xf32, #tpu.memory_space<hbm>>)
          tpu.yield
        }) : () -> ()
      } else {
      }
      %eq3A_49 = arith.constant 1 : i32
      %eq3A_50 = arith.cmpi eq, %select_n3A_25, %eq3A_49 : i32
      %convert_element_type3A_51 = arith.extui %eq3A_50 : i1 to i32
      %cond3A_52 = arith.constant 0 : i32
      %cond3A_53 = arith.cmpi ne, %convert_element_type3A_51, %cond3A_52 : i32
      scf.if %cond3A_53 {
        %dma_wait3A = arith.constant 0 : i32
        %dma_wait3A_55 = arith.constant 0 : i32
        %dma_wait3A_56 = tpu.memref_slice %arg5[%dma_wait3A, %dma_wait3A_55] : memref<26x128xi32, #tpu.memory_space<vmem>> -> memref<1x128xi32, #tpu.memory_space<vmem>>
        %dma_wait3A_57 = tpu.memref_squeeze %dma_wait3A_56 : memref<1x128xi32, #tpu.memory_space<vmem>> -> memref<128xi32, #tpu.memory_space<vmem>>
        %dma_wait3A_58 = arith.constant 0 : i32
        %dma_wait3A_59 = arith.constant 0 : i32
        %dma_wait3A_60 = tpu.memref_slice %arg2[%dma_wait3A_58, %dma_wait3A_59] : memref<26000x128xf32, #tpu.memory_space<hbm>> -> memref<26000x128xf32, #tpu.memory_space<hbm>>
        tpu.wait_indirect_dma semaphore(%arg9 : memref<!tpu.dma_semaphore, #tpu.memory_space<semaphore_mem>>) src(%dma_wait3A_60 : memref<26000x128xf32, #tpu.memory_space<hbm>>) dst(%arg7 : memref<128x128xf32, #tpu.memory_space<vmem>>)
        %mul3A_61 = arith.constant 128 : i32
        %mul3A_62 = arith.muli %scan3A_15, %mul3A_61 : i32
        %add3A_63 = arith.addi %mul3A_2, %mul3A_62 : i32
        "tpu.region"() ({
          %run_scoped3A = tpu.sem_alloc : memref<!tpu.dma_semaphore, #tpu.memory_space<semaphore_mem>>
          %dma_start3A_64 = arith.constant 0 : i32
          %dma_start3A_65 = tpu.memref_slice %arg4[%add3A_63, %dma_start3A_64] : memref<106496x128xf32, #tpu.memory_space<hbm>> -> memref<128x128xf32, #tpu.memory_space<hbm>>
          %dma_start3A_66 = arith.constant 0 : i32
          %dma_start3A_67 = tpu.memref_slice %arg4[%add3A_63, %dma_start3A_66] : memref<106496x128xf32, #tpu.memory_space<hbm>> -> memref<128x128xf32, #tpu.memory_space<hbm>>
          tpu.enqueue_dma source(%arg7 : memref<128x128xf32, #tpu.memory_space<vmem>>) target(%dma_start3A_67 : memref<128x128xf32, #tpu.memory_space<hbm>>) target_semaphore(%run_scoped3A : memref<!tpu.dma_semaphore, #tpu.memory_space<semaphore_mem>>)
          %dma_wait3A_68 = arith.constant 0 : i32
          %dma_wait3A_69 = tpu.memref_slice %arg4[%add3A_63, %dma_wait3A_68] : memref<106496x128xf32, #tpu.memory_space<hbm>> -> memref<128x128xf32, #tpu.memory_space<hbm>>
          %dma_wait3A_70 = arith.constant 0 : i32
          %dma_wait3A_71 = tpu.memref_slice %arg4[%add3A_63, %dma_wait3A_70] : memref<106496x128xf32, #tpu.memory_space<hbm>> -> memref<128x128xf32, #tpu.memory_space<hbm>>
          tpu.wait_dma2 semaphore(%run_scoped3A : memref<!tpu.dma_semaphore, #tpu.memory_space<semaphore_mem>>) src(%arg7 : memref<128x128xf32, #tpu.memory_space<vmem>>) dst(%dma_wait3A_71 : memref<128x128xf32, #tpu.memory_space<hbm>>)
          tpu.yield
        }) : () -> ()
      } else {
      }
      %scan3A_54 = arith.constant 0 : i32
      scf.yield %scan3A_54 : i32
    }
    %scan3A_14 = arith.constant 26 : i32
    return
  }
}

#map = affine_map<(d0, d1) -> (0, 0)>
#map1 = affine_map<(d0, d1) -> (0, 0, 0)>
module attributes {stable_mosaic.version = 14 : i64} {
  func.func @k(%arg0: i32, %arg1: i32, %arg2: memref<26000x128xf32, #tpu.memory_space<hbm>>, %arg3: memref<32x26x128xi32, #tpu.memory_space<hbm>>, %arg4: memref<106496x128xf32, #tpu.memory_space<hbm>>, %arg5: memref<26x128xi32, #tpu.memory_space<vmem>>, %arg6: memref<128x128xf32, #tpu.memory_space<vmem>>, %arg7: memref<128x128xf32, #tpu.memory_space<vmem>>, %arg8: memref<!tpu.dma_semaphore, #tpu.memory_space<semaphore_mem>>, %arg9: memref<!tpu.dma_semaphore, #tpu.memory_space<semaphore_mem>>) attributes {dimension_semantics = [#tpu.dimension_semantics<core_parallel>, #tpu.dimension_semantics<subcore_parallel>], iteration_bounds = array<i64: 2, 16>, scalar_prefetch = 0 : i64, scratch_operands = 5 : i64, tpu.core_type = #tpu.core_type<sc_vector_subcore>, window_params = [{transform_indices = #map}, {transform_indices = #map1}, {transform_indices = #map}]} {
    %mul3A = arith.constant 2 : i32
    %mul3A_0 = arith.muli %arg1, %mul3A : i32
    %add3A = arith.addi %mul3A_0, %arg0 : i32
    "tpu.region"() ({
      %run_scoped3A = tpu.sem_alloc : memref<!tpu.dma_semaphore, #tpu.memory_space<semaphore_mem>>
      %dma_start3A_15 = arith.constant 0 : i32
      %dma_start3A_16 = arith.constant 0 : i32
      %dma_start3A_17 = tpu.memref_slice %arg3[%add3A, %dma_start3A_15, %dma_start3A_16] : memref<32x26x128xi32, #tpu.memory_space<hbm>> -> memref<1x26x128xi32, #tpu.memory_space<hbm>>
      %dma_start3A_18 = tpu.memref_squeeze %dma_start3A_17 : memref<1x26x128xi32, #tpu.memory_space<hbm>> -> memref<26x128xi32, #tpu.memory_space<hbm>>
      %dma_start3A_19 = arith.constant 0 : i32
      %dma_start3A_20 = arith.constant 0 : i32
      %dma_start3A_21 = tpu.memref_slice %arg3[%add3A, %dma_start3A_19, %dma_start3A_20] : memref<32x26x128xi32, #tpu.memory_space<hbm>> -> memref<1x26x128xi32, #tpu.memory_space<hbm>>
      %dma_start3A_22 = tpu.memref_squeeze %dma_start3A_21 : memref<1x26x128xi32, #tpu.memory_space<hbm>> -> memref<26x128xi32, #tpu.memory_space<hbm>>
      tpu.enqueue_dma source(%dma_start3A_22 : memref<26x128xi32, #tpu.memory_space<hbm>>) target(%arg5 : memref<26x128xi32, #tpu.memory_space<vmem>>) target_semaphore(%run_scoped3A : memref<!tpu.dma_semaphore, #tpu.memory_space<semaphore_mem>>)
      %dma_wait3A = arith.constant 0 : i32
      %dma_wait3A_23 = arith.constant 0 : i32
      %dma_wait3A_24 = tpu.memref_slice %arg3[%add3A, %dma_wait3A, %dma_wait3A_23] : memref<32x26x128xi32, #tpu.memory_space<hbm>> -> memref<1x26x128xi32, #tpu.memory_space<hbm>>
      %dma_wait3A_25 = tpu.memref_squeeze %dma_wait3A_24 : memref<1x26x128xi32, #tpu.memory_space<hbm>> -> memref<26x128xi32, #tpu.memory_space<hbm>>
      %dma_wait3A_26 = arith.constant 0 : i32
      %dma_wait3A_27 = arith.constant 0 : i32
      %dma_wait3A_28 = tpu.memref_slice %arg3[%add3A, %dma_wait3A_26, %dma_wait3A_27] : memref<32x26x128xi32, #tpu.memory_space<hbm>> -> memref<1x26x128xi32, #tpu.memory_space<hbm>>
      %dma_wait3A_29 = tpu.memref_squeeze %dma_wait3A_28 : memref<1x26x128xi32, #tpu.memory_space<hbm>> -> memref<26x128xi32, #tpu.memory_space<hbm>>
      tpu.wait_dma2 semaphore(%run_scoped3A : memref<!tpu.dma_semaphore, #tpu.memory_space<semaphore_mem>>) src(%dma_wait3A_29 : memref<26x128xi32, #tpu.memory_space<hbm>>) dst(%arg5 : memref<26x128xi32, #tpu.memory_space<vmem>>)
      tpu.yield
    }) : () -> ()
    %mul3A_1 = arith.constant 3328 : i32
    %mul3A_2 = arith.muli %add3A, %mul3A_1 : i32
    %dma_start3A = arith.constant 0 : i32
    %dma_start3A_3 = arith.constant 0 : i32
    %dma_start3A_4 = tpu.memref_slice %arg5[%dma_start3A, %dma_start3A_3] : memref<26x128xi32, #tpu.memory_space<vmem>> -> memref<1x128xi32, #tpu.memory_space<vmem>>
    %dma_start3A_5 = tpu.memref_squeeze %dma_start3A_4 : memref<1x128xi32, #tpu.memory_space<vmem>> -> memref<128xi32, #tpu.memory_space<vmem>>
    %dma_start3A_6 = arith.constant 0 : i32
    %dma_start3A_7 = arith.constant 0 : i32
    %dma_start3A_8 = tpu.memref_slice %arg2[%dma_start3A_6, %dma_start3A_7] : memref<26000x128xf32, #tpu.memory_space<hbm>> -> memref<26000x128xf32, #tpu.memory_space<hbm>>
    tpu.enqueue_indirect_dma source(%dma_start3A_8 : memref<26000x128xf32, #tpu.memory_space<hbm>>) target(%arg6 : memref<128x128xf32, #tpu.memory_space<vmem>>) offsets(%dma_start3A_5 : memref<128xi32, #tpu.memory_space<vmem>>) semaphore(%arg8 : memref<!tpu.dma_semaphore, #tpu.memory_space<semaphore_mem>>)
    %scan3A = arith.constant 0 : i32
    %scan3A_9 = arith.constant 0 : i32
    %scan3A_10 = arith.constant 26 : i32
    %scan3A_11 = arith.addi %scan3A_9, %scan3A_10 : i32
    %scan3A_12 = arith.constant 1 : i32
    %scan3A_13 = scf.for %scan3A_15 = %scan3A_9 to %scan3A_11 step %scan3A_12 iter_args(%scan3A_16 = %scan3A) -> (i32)  : i32 {
      %jit3A = arith.constant 2 : i32
      %eq3A = arith.constant 0 : i32
      %eq3A_17 = arith.cmpi eq, %jit3A, %eq3A : i32
      %jit3A_18 = arith.constant 1 : i32
      %select_n3A = arith.select %eq3A_17, %jit3A_18, %jit3A : i32
      %rem3A = arith.remsi %scan3A_15, %select_n3A : i32
      %ne3A = arith.constant 0 : i32
      %ne3A_19 = arith.cmpi ne, %rem3A, %ne3A : i32
      %lt3A = arith.constant 0 : i32
      %lt3A_20 = arith.cmpi slt, %rem3A, %lt3A : i32
      %lt3A_21 = arith.constant 0 : i32
      %lt3A_22 = arith.cmpi slt, %select_n3A, %lt3A_21 : i32
      %ne3A_23 = arith.xori %lt3A_20, %lt3A_22 : i1
      %and3A = arith.andi %ne3A_23, %ne3A_19 : i1
      %add3A_24 = arith.addi %rem3A, %select_n3A : i32
      %select_n3A_25 = arith.select %and3A, %add3A_24, %rem3A : i32
      %add3A_26 = arith.constant 1 : i32
      %add3A_27 = arith.addi %scan3A_15, %add3A_26 : i32
      %lt3A_28 = arith.constant 26 : i32
      %lt3A_29 = arith.cmpi slt, %add3A_27, %lt3A_28 : i32
      %eq3A_30 = arith.constant 0 : i32
      %eq3A_31 = arith.cmpi eq, %select_n3A_25, %eq3A_30 : i32
      %and3A_32 = arith.andi %lt3A_29, %eq3A_31 : i1
      %convert_element_type3A = arith.extui %and3A_32 : i1 to i32
      %cond3A = arith.constant 0 : i32
      %cond3A_33 = arith.cmpi ne, %convert_element_type3A, %cond3A : i32
      scf.if %cond3A_33 {
        %add3A_55 = arith.constant 1 : i32
        %add3A_56 = arith.addi %scan3A_15, %add3A_55 : i32
        %dma_start3A_57 = arith.constant 0 : i32
        %dma_start3A_58 = tpu.memref_slice %arg5[%add3A_56, %dma_start3A_57] : memref<26x128xi32, #tpu.memory_space<vmem>> -> memref<1x128xi32, #tpu.memory_space<vmem>>
        %dma_start3A_59 = tpu.memref_squeeze %dma_start3A_58 : memref<1x128xi32, #tpu.memory_space<vmem>> -> memref<128xi32, #tpu.memory_space<vmem>>
        %dma_start3A_60 = arith.constant 0 : i32
        %dma_start3A_61 = arith.constant 0 : i32
        %dma_start3A_62 = tpu.memref_slice %arg2[%dma_start3A_60, %dma_start3A_61] : memref<26000x128xf32, #tpu.memory_space<hbm>> -> memref<26000x128xf32, #tpu.memory_space<hbm>>
        tpu.enqueue_indirect_dma source(%dma_start3A_62 : memref<26000x128xf32, #tpu.memory_space<hbm>>) target(%arg7 : memref<128x128xf32, #tpu.memory_space<vmem>>) offsets(%dma_start3A_59 : memref<128xi32, #tpu.memory_space<vmem>>) semaphore(%arg9 : memref<!tpu.dma_semaphore, #tpu.memory_space<semaphore_mem>>)
      } else {
      }
      %add3A_34 = arith.constant 1 : i32
      %add3A_35 = arith.addi %scan3A_15, %add3A_34 : i32
      %lt3A_36 = arith.constant 26 : i32
      %lt3A_37 = arith.cmpi slt, %add3A_35, %lt3A_36 : i32
      %eq3A_38 = arith.constant 1 : i32
      %eq3A_39 = arith.cmpi eq, %select_n3A_25, %eq3A_38 : i32
      %and3A_40 = arith.andi %lt3A_37, %eq3A_39 : i1
      %convert_element_type3A_41 = arith.extui %and3A_40 : i1 to i32
      %cond3A_42 = arith.constant 0 : i32
      %cond3A_43 = arith.cmpi ne, %convert_element_type3A_41, %cond3A_42 : i32
      scf.if %cond3A_43 {
        %add3A_55 = arith.constant 1 : i32
        %add3A_56 = arith.addi %scan3A_15, %add3A_55 : i32
        %dma_start3A_57 = arith.constant 0 : i32
        %dma_start3A_58 = tpu.memref_slice %arg5[%add3A_56, %dma_start3A_57] : memref<26x128xi32, #tpu.memory_space<vmem>> -> memref<1x128xi32, #tpu.memory_space<vmem>>
        %dma_start3A_59 = tpu.memref_squeeze %dma_start3A_58 : memref<1x128xi32, #tpu.memory_space<vmem>> -> memref<128xi32, #tpu.memory_space<vmem>>
        %dma_start3A_60 = arith.constant 0 : i32
        %dma_start3A_61 = arith.constant 0 : i32
        %dma_start3A_62 = tpu.memref_slice %arg2[%dma_start3A_60, %dma_start3A_61] : memref<26000x128xf32, #tpu.memory_space<hbm>> -> memref<26000x128xf32, #tpu.memory_space<hbm>>
        tpu.enqueue_indirect_dma source(%dma_start3A_62 : memref<26000x128xf32, #tpu.memory_space<hbm>>) target(%arg6 : memref<128x128xf32, #tpu.memory_space<vmem>>) offsets(%dma_start3A_59 : memref<128xi32, #tpu.memory_space<vmem>>) semaphore(%arg8 : memref<!tpu.dma_semaphore, #tpu.memory_space<semaphore_mem>>)
      } else {
      }
      %eq3A_44 = arith.constant 0 : i32
      %eq3A_45 = arith.cmpi eq, %select_n3A_25, %eq3A_44 : i32
      %convert_element_type3A_46 = arith.extui %eq3A_45 : i1 to i32
      %cond3A_47 = arith.constant 0 : i32
      %cond3A_48 = arith.cmpi ne, %convert_element_type3A_46, %cond3A_47 : i32
      scf.if %cond3A_48 {
        %dma_wait3A = arith.constant 0 : i32
        %dma_wait3A_55 = arith.constant 0 : i32
        %dma_wait3A_56 = tpu.memref_slice %arg5[%dma_wait3A, %dma_wait3A_55] : memref<26x128xi32, #tpu.memory_space<vmem>> -> memref<1x128xi32, #tpu.memory_space<vmem>>
        %dma_wait3A_57 = tpu.memref_squeeze %dma_wait3A_56 : memref<1x128xi32, #tpu.memory_space<vmem>> -> memref<128xi32, #tpu.memory_space<vmem>>
        %dma_wait3A_58 = arith.constant 0 : i32
        %dma_wait3A_59 = arith.constant 0 : i32
        %dma_wait3A_60 = tpu.memref_slice %arg2[%dma_wait3A_58, %dma_wait3A_59] : memref<26000x128xf32, #tpu.memory_space<hbm>> -> memref<26000x128xf32, #tpu.memory_space<hbm>>
        tpu.wait_indirect_dma semaphore(%arg8 : memref<!tpu.dma_semaphore, #tpu.memory_space<semaphore_mem>>) src(%dma_wait3A_60 : memref<26000x128xf32, #tpu.memory_space<hbm>>) dst(%arg6 : memref<128x128xf32, #tpu.memory_space<vmem>>)
        %mul3A_61 = arith.constant 128 : i32
        %mul3A_62 = arith.muli %scan3A_15, %mul3A_61 : i32
        %add3A_63 = arith.addi %mul3A_2, %mul3A_62 : i32
        "tpu.region"() ({
          %run_scoped3A = tpu.sem_alloc : memref<!tpu.dma_semaphore, #tpu.memory_space<semaphore_mem>>
          %dma_start3A_64 = arith.constant 0 : i32
          %dma_start3A_65 = tpu.memref_slice %arg4[%add3A_63, %dma_start3A_64] : memref<106496x128xf32, #tpu.memory_space<hbm>> -> memref<128x128xf32, #tpu.memory_space<hbm>>
          %dma_start3A_66 = arith.constant 0 : i32
          %dma_start3A_67 = tpu.memref_slice %arg4[%add3A_63, %dma_start3A_66] : memref<106496x128xf32, #tpu.memory_space<hbm>> -> memref<128x128xf32, #tpu.memory_space<hbm>>
          tpu.enqueue_dma source(%arg6 : memref<128x128xf32, #tpu.memory_space<vmem>>) target(%dma_start3A_67 : memref<128x128xf32, #tpu.memory_space<hbm>>) target_semaphore(%run_scoped3A : memref<!tpu.dma_semaphore, #tpu.memory_space<semaphore_mem>>)
          %dma_wait3A_68 = arith.constant 0 : i32
          %dma_wait3A_69 = tpu.memref_slice %arg4[%add3A_63, %dma_wait3A_68] : memref<106496x128xf32, #tpu.memory_space<hbm>> -> memref<128x128xf32, #tpu.memory_space<hbm>>
          %dma_wait3A_70 = arith.constant 0 : i32
          %dma_wait3A_71 = tpu.memref_slice %arg4[%add3A_63, %dma_wait3A_70] : memref<106496x128xf32, #tpu.memory_space<hbm>> -> memref<128x128xf32, #tpu.memory_space<hbm>>
          tpu.wait_dma2 semaphore(%run_scoped3A : memref<!tpu.dma_semaphore, #tpu.memory_space<semaphore_mem>>) src(%arg6 : memref<128x128xf32, #tpu.memory_space<vmem>>) dst(%dma_wait3A_71 : memref<128x128xf32, #tpu.memory_space<hbm>>)
          tpu.yield
        }) : () -> ()
      } else {
      }
      %eq3A_49 = arith.constant 1 : i32
      %eq3A_50 = arith.cmpi eq, %select_n3A_25, %eq3A_49 : i32
      %convert_element_type3A_51 = arith.extui %eq3A_50 : i1 to i32
      %cond3A_52 = arith.constant 0 : i32
      %cond3A_53 = arith.cmpi ne, %convert_element_type3A_51, %cond3A_52 : i32
      scf.if %cond3A_53 {
        %dma_wait3A = arith.constant 0 : i32
        %dma_wait3A_55 = arith.constant 0 : i32
        %dma_wait3A_56 = tpu.memref_slice %arg5[%dma_wait3A, %dma_wait3A_55] : memref<26x128xi32, #tpu.memory_space<vmem>> -> memref<1x128xi32, #tpu.memory_space<vmem>>
        %dma_wait3A_57 = tpu.memref_squeeze %dma_wait3A_56 : memref<1x128xi32, #tpu.memory_space<vmem>> -> memref<128xi32, #tpu.memory_space<vmem>>
        %dma_wait3A_58 = arith.constant 0 : i32
        %dma_wait3A_59 = arith.constant 0 : i32
        %dma_wait3A_60 = tpu.memref_slice %arg2[%dma_wait3A_58, %dma_wait3A_59] : memref<26000x128xf32, #tpu.memory_space<hbm>> -> memref<26000x128xf32, #tpu.memory_space<hbm>>
        tpu.wait_indirect_dma semaphore(%arg9 : memref<!tpu.dma_semaphore, #tpu.memory_space<semaphore_mem>>) src(%dma_wait3A_60 : memref<26000x128xf32, #tpu.memory_space<hbm>>) dst(%arg7 : memref<128x128xf32, #tpu.memory_space<vmem>>)
        %mul3A_61 = arith.constant 128 : i32
        %mul3A_62 = arith.muli %scan3A_15, %mul3A_61 : i32
        %add3A_63 = arith.addi %mul3A_2, %mul3A_62 : i32
        "tpu.region"() ({
          %run_scoped3A = tpu.sem_alloc : memref<!tpu.dma_semaphore, #tpu.memory_space<semaphore_mem>>
          %dma_start3A_64 = arith.constant 0 : i32
          %dma_start3A_65 = tpu.memref_slice %arg4[%add3A_63, %dma_start3A_64] : memref<106496x128xf32, #tpu.memory_space<hbm>> -> memref<128x128xf32, #tpu.memory_space<hbm>>
          %dma_start3A_66 = arith.constant 0 : i32
          %dma_start3A_67 = tpu.memref_slice %arg4[%add3A_63, %dma_start3A_66] : memref<106496x128xf32, #tpu.memory_space<hbm>> -> memref<128x128xf32, #tpu.memory_space<hbm>>
          tpu.enqueue_dma source(%arg7 : memref<128x128xf32, #tpu.memory_space<vmem>>) target(%dma_start3A_67 : memref<128x128xf32, #tpu.memory_space<hbm>>) target_semaphore(%run_scoped3A : memref<!tpu.dma_semaphore, #tpu.memory_space<semaphore_mem>>)
          %dma_wait3A_68 = arith.constant 0 : i32
          %dma_wait3A_69 = tpu.memref_slice %arg4[%add3A_63, %dma_wait3A_68] : memref<106496x128xf32, #tpu.memory_space<hbm>> -> memref<128x128xf32, #tpu.memory_space<hbm>>
          %dma_wait3A_70 = arith.constant 0 : i32
          %dma_wait3A_71 = tpu.memref_slice %arg4[%add3A_63, %dma_wait3A_70] : memref<106496x128xf32, #tpu.memory_space<hbm>> -> memref<128x128xf32, #tpu.memory_space<hbm>>
          tpu.wait_dma2 semaphore(%run_scoped3A : memref<!tpu.dma_semaphore, #tpu.memory_space<semaphore_mem>>) src(%arg7 : memref<128x128xf32, #tpu.memory_space<vmem>>) dst(%dma_wait3A_71 : memref<128x128xf32, #tpu.memory_space<hbm>>)
          tpu.yield
        }) : () -> ()
      } else {
      }
      %scan3A_54 = arith.constant 0 : i32
      scf.yield %scan3A_54 : i32
    }
    %scan3A_14 = arith.constant 26 : i32
    return
  }
}

#map = affine_map<(d0, d1) -> (0, 0)>
#map1 = affine_map<(d0, d1) -> (0, 0, 0)>
module attributes {stable_mosaic.version = 14 : i64} {
  func.func @k(%arg0: i32, %arg1: i32, %arg2: memref<26000x128xf32, #tpu.memory_space<hbm>>, %arg3: memref<32x26x128xi32, #tpu.memory_space<hbm>>, %arg4: memref<106496x128xf32, #tpu.memory_space<hbm>>, %arg5: memref<26x128xi32, #tpu.memory_space<vmem>>, %arg6: memref<128x128xf32, #tpu.memory_space<vmem>>, %arg7: memref<128x128xf32, #tpu.memory_space<vmem>>, %arg8: memref<!tpu.dma_semaphore, #tpu.memory_space<semaphore_mem>>, %arg9: memref<!tpu.dma_semaphore, #tpu.memory_space<semaphore_mem>>) attributes {dimension_semantics = [#tpu.dimension_semantics<core_parallel>, #tpu.dimension_semantics<subcore_parallel>], iteration_bounds = array<i64: 2, 16>, scalar_prefetch = 0 : i64, scratch_operands = 5 : i64, tpu.core_type = #tpu.core_type<sc_vector_subcore>, window_params = [{transform_indices = #map}, {transform_indices = #map1}, {transform_indices = #map}]} {
    %mul3A = arith.constant 2 : i32
    %mul3A_0 = arith.muli %arg1, %mul3A : i32
    %add3A = arith.addi %mul3A_0, %arg0 : i32
    "tpu.region"() ({
      %run_scoped3A = tpu.sem_alloc : memref<!tpu.dma_semaphore, #tpu.memory_space<semaphore_mem>>
      %dma_start3A_15 = arith.constant 0 : i32
      %dma_start3A_16 = arith.constant 0 : i32
      %dma_start3A_17 = tpu.memref_slice %arg3[%add3A, %dma_start3A_15, %dma_start3A_16] : memref<32x26x128xi32, #tpu.memory_space<hbm>> -> memref<1x26x128xi32, #tpu.memory_space<hbm>>
      %dma_start3A_18 = tpu.memref_squeeze %dma_start3A_17 : memref<1x26x128xi32, #tpu.memory_space<hbm>> -> memref<26x128xi32, #tpu.memory_space<hbm>>
      %dma_start3A_19 = arith.constant 0 : i32
      %dma_start3A_20 = arith.constant 0 : i32
      %dma_start3A_21 = tpu.memref_slice %arg3[%add3A, %dma_start3A_19, %dma_start3A_20] : memref<32x26x128xi32, #tpu.memory_space<hbm>> -> memref<1x26x128xi32, #tpu.memory_space<hbm>>
      %dma_start3A_22 = tpu.memref_squeeze %dma_start3A_21 : memref<1x26x128xi32, #tpu.memory_space<hbm>> -> memref<26x128xi32, #tpu.memory_space<hbm>>
      tpu.enqueue_dma source(%dma_start3A_22 : memref<26x128xi32, #tpu.memory_space<hbm>>) target(%arg5 : memref<26x128xi32, #tpu.memory_space<vmem>>) target_semaphore(%run_scoped3A : memref<!tpu.dma_semaphore, #tpu.memory_space<semaphore_mem>>)
      %dma_wait3A = arith.constant 0 : i32
      %dma_wait3A_23 = arith.constant 0 : i32
      %dma_wait3A_24 = tpu.memref_slice %arg3[%add3A, %dma_wait3A, %dma_wait3A_23] : memref<32x26x128xi32, #tpu.memory_space<hbm>> -> memref<1x26x128xi32, #tpu.memory_space<hbm>>
      %dma_wait3A_25 = tpu.memref_squeeze %dma_wait3A_24 : memref<1x26x128xi32, #tpu.memory_space<hbm>> -> memref<26x128xi32, #tpu.memory_space<hbm>>
      %dma_wait3A_26 = arith.constant 0 : i32
      %dma_wait3A_27 = arith.constant 0 : i32
      %dma_wait3A_28 = tpu.memref_slice %arg3[%add3A, %dma_wait3A_26, %dma_wait3A_27] : memref<32x26x128xi32, #tpu.memory_space<hbm>> -> memref<1x26x128xi32, #tpu.memory_space<hbm>>
      %dma_wait3A_29 = tpu.memref_squeeze %dma_wait3A_28 : memref<1x26x128xi32, #tpu.memory_space<hbm>> -> memref<26x128xi32, #tpu.memory_space<hbm>>
      tpu.wait_dma2 semaphore(%run_scoped3A : memref<!tpu.dma_semaphore, #tpu.memory_space<semaphore_mem>>) src(%dma_wait3A_29 : memref<26x128xi32, #tpu.memory_space<hbm>>) dst(%arg5 : memref<26x128xi32, #tpu.memory_space<vmem>>)
      tpu.yield
    }) : () -> ()
    %mul3A_1 = arith.constant 3328 : i32
    %mul3A_2 = arith.muli %add3A, %mul3A_1 : i32
    %dma_start3A = arith.constant 0 : i32
    %dma_start3A_3 = arith.constant 0 : i32
    %dma_start3A_4 = tpu.memref_slice %arg5[%dma_start3A, %dma_start3A_3] : memref<26x128xi32, #tpu.memory_space<vmem>> -> memref<1x128xi32, #tpu.memory_space<vmem>>
    %dma_start3A_5 = tpu.memref_squeeze %dma_start3A_4 : memref<1x128xi32, #tpu.memory_space<vmem>> -> memref<128xi32, #tpu.memory_space<vmem>>
    %dma_start3A_6 = arith.constant 0 : i32
    %dma_start3A_7 = arith.constant 0 : i32
    %dma_start3A_8 = tpu.memref_slice %arg2[%dma_start3A_6, %dma_start3A_7] : memref<26000x128xf32, #tpu.memory_space<hbm>> -> memref<26000x128xf32, #tpu.memory_space<hbm>>
    tpu.enqueue_indirect_dma source(%dma_start3A_8 : memref<26000x128xf32, #tpu.memory_space<hbm>>) target(%arg6 : memref<128x128xf32, #tpu.memory_space<vmem>>) offsets(%dma_start3A_5 : memref<128xi32, #tpu.memory_space<vmem>>) semaphore(%arg8 : memref<!tpu.dma_semaphore, #tpu.memory_space<semaphore_mem>>)
    %scan3A = arith.constant 0 : i32
    %scan3A_9 = arith.constant 0 : i32
    %scan3A_10 = arith.constant 26 : i32
    %scan3A_11 = arith.addi %scan3A_9, %scan3A_10 : i32
    %scan3A_12 = arith.constant 1 : i32
    %scan3A_13 = scf.for %scan3A_15 = %scan3A_9 to %scan3A_11 step %scan3A_12 iter_args(%scan3A_16 = %scan3A) -> (i32)  : i32 {
      %jit3A = arith.constant 2 : i32
      %eq3A = arith.constant 0 : i32
      %eq3A_17 = arith.cmpi eq, %jit3A, %eq3A : i32
      %jit3A_18 = arith.constant 1 : i32
      %select_n3A = arith.select %eq3A_17, %jit3A_18, %jit3A : i32
      %rem3A = arith.remsi %scan3A_15, %select_n3A : i32
      %ne3A = arith.constant 0 : i32
      %ne3A_19 = arith.cmpi ne, %rem3A, %ne3A : i32
      %lt3A = arith.constant 0 : i32
      %lt3A_20 = arith.cmpi slt, %rem3A, %lt3A : i32
      %lt3A_21 = arith.constant 0 : i32
      %lt3A_22 = arith.cmpi slt, %select_n3A, %lt3A_21 : i32
      %ne3A_23 = arith.xori %lt3A_20, %lt3A_22 : i1
      %and3A = arith.andi %ne3A_23, %ne3A_19 : i1
      %add3A_24 = arith.addi %rem3A, %select_n3A : i32
      %select_n3A_25 = arith.select %and3A, %add3A_24, %rem3A : i32
      %add3A_26 = arith.constant 1 : i32
      %add3A_27 = arith.addi %scan3A_15, %add3A_26 : i32
      %lt3A_28 = arith.constant 26 : i32
      %lt3A_29 = arith.cmpi slt, %add3A_27, %lt3A_28 : i32
      %eq3A_30 = arith.constant 0 : i32
      %eq3A_31 = arith.cmpi eq, %select_n3A_25, %eq3A_30 : i32
      %and3A_32 = arith.andi %lt3A_29, %eq3A_31 : i1
      %convert_element_type3A = arith.extui %and3A_32 : i1 to i32
      %cond3A = arith.constant 0 : i32
      %cond3A_33 = arith.cmpi ne, %convert_element_type3A, %cond3A : i32
      scf.if %cond3A_33 {
        %add3A_55 = arith.constant 1 : i32
        %add3A_56 = arith.addi %scan3A_15, %add3A_55 : i32
        %dma_start3A_57 = arith.constant 0 : i32
        %dma_start3A_58 = tpu.memref_slice %arg5[%add3A_56, %dma_start3A_57] : memref<26x128xi32, #tpu.memory_space<vmem>> -> memref<1x128xi32, #tpu.memory_space<vmem>>
        %dma_start3A_59 = tpu.memref_squeeze %dma_start3A_58 : memref<1x128xi32, #tpu.memory_space<vmem>> -> memref<128xi32, #tpu.memory_space<vmem>>
        %dma_start3A_60 = arith.constant 0 : i32
        %dma_start3A_61 = arith.constant 0 : i32
        %dma_start3A_62 = tpu.memref_slice %arg2[%dma_start3A_60, %dma_start3A_61] : memref<26000x128xf32, #tpu.memory_space<hbm>> -> memref<26000x128xf32, #tpu.memory_space<hbm>>
        tpu.enqueue_indirect_dma source(%dma_start3A_62 : memref<26000x128xf32, #tpu.memory_space<hbm>>) target(%arg7 : memref<128x128xf32, #tpu.memory_space<vmem>>) offsets(%dma_start3A_59 : memref<128xi32, #tpu.memory_space<vmem>>) semaphore(%arg9 : memref<!tpu.dma_semaphore, #tpu.memory_space<semaphore_mem>>)
      } else {
      }
      %add3A_34 = arith.constant 1 : i32
      %add3A_35 = arith.addi %scan3A_15, %add3A_34 : i32
      %lt3A_36 = arith.constant 26 : i32
      %lt3A_37 = arith.cmpi slt, %add3A_35, %lt3A_36 : i32
      %eq3A_38 = arith.constant 1 : i32
      %eq3A_39 = arith.cmpi eq, %select_n3A_25, %eq3A_38 : i32
      %and3A_40 = arith.andi %lt3A_37, %eq3A_39 : i1
      %convert_element_type3A_41 = arith.extui %and3A_40 : i1 to i32
      %cond3A_42 = arith.constant 0 : i32
      %cond3A_43 = arith.cmpi ne, %convert_element_type3A_41, %cond3A_42 : i32
      scf.if %cond3A_43 {
        %add3A_55 = arith.constant 1 : i32
        %add3A_56 = arith.addi %scan3A_15, %add3A_55 : i32
        %dma_start3A_57 = arith.constant 0 : i32
        %dma_start3A_58 = tpu.memref_slice %arg5[%add3A_56, %dma_start3A_57] : memref<26x128xi32, #tpu.memory_space<vmem>> -> memref<1x128xi32, #tpu.memory_space<vmem>>
        %dma_start3A_59 = tpu.memref_squeeze %dma_start3A_58 : memref<1x128xi32, #tpu.memory_space<vmem>> -> memref<128xi32, #tpu.memory_space<vmem>>
        %dma_start3A_60 = arith.constant 0 : i32
        %dma_start3A_61 = arith.constant 0 : i32
        %dma_start3A_62 = tpu.memref_slice %arg2[%dma_start3A_60, %dma_start3A_61] : memref<26000x128xf32, #tpu.memory_space<hbm>> -> memref<26000x128xf32, #tpu.memory_space<hbm>>
        tpu.enqueue_indirect_dma source(%dma_start3A_62 : memref<26000x128xf32, #tpu.memory_space<hbm>>) target(%arg6 : memref<128x128xf32, #tpu.memory_space<vmem>>) offsets(%dma_start3A_59 : memref<128xi32, #tpu.memory_space<vmem>>) semaphore(%arg8 : memref<!tpu.dma_semaphore, #tpu.memory_space<semaphore_mem>>)
      } else {
      }
      %eq3A_44 = arith.constant 0 : i32
      %eq3A_45 = arith.cmpi eq, %select_n3A_25, %eq3A_44 : i32
      %convert_element_type3A_46 = arith.extui %eq3A_45 : i1 to i32
      %cond3A_47 = arith.constant 0 : i32
      %cond3A_48 = arith.cmpi ne, %convert_element_type3A_46, %cond3A_47 : i32
      scf.if %cond3A_48 {
        %dma_wait3A = arith.constant 0 : i32
        %dma_wait3A_55 = arith.constant 0 : i32
        %dma_wait3A_56 = tpu.memref_slice %arg5[%dma_wait3A, %dma_wait3A_55] : memref<26x128xi32, #tpu.memory_space<vmem>> -> memref<1x128xi32, #tpu.memory_space<vmem>>
        %dma_wait3A_57 = tpu.memref_squeeze %dma_wait3A_56 : memref<1x128xi32, #tpu.memory_space<vmem>> -> memref<128xi32, #tpu.memory_space<vmem>>
        %dma_wait3A_58 = arith.constant 0 : i32
        %dma_wait3A_59 = arith.constant 0 : i32
        %dma_wait3A_60 = tpu.memref_slice %arg2[%dma_wait3A_58, %dma_wait3A_59] : memref<26000x128xf32, #tpu.memory_space<hbm>> -> memref<26000x128xf32, #tpu.memory_space<hbm>>
        tpu.wait_indirect_dma semaphore(%arg8 : memref<!tpu.dma_semaphore, #tpu.memory_space<semaphore_mem>>) src(%dma_wait3A_60 : memref<26000x128xf32, #tpu.memory_space<hbm>>) dst(%arg6 : memref<128x128xf32, #tpu.memory_space<vmem>>)
        %mul3A_61 = arith.constant 128 : i32
        %mul3A_62 = arith.muli %scan3A_15, %mul3A_61 : i32
        %add3A_63 = arith.addi %mul3A_2, %mul3A_62 : i32
        "tpu.region"() ({
          %run_scoped3A = tpu.sem_alloc : memref<!tpu.dma_semaphore, #tpu.memory_space<semaphore_mem>>
          %dma_start3A_64 = arith.constant 0 : i32
          %dma_start3A_65 = tpu.memref_slice %arg4[%add3A_63, %dma_start3A_64] : memref<106496x128xf32, #tpu.memory_space<hbm>> -> memref<128x128xf32, #tpu.memory_space<hbm>>
          %dma_start3A_66 = arith.constant 0 : i32
          %dma_start3A_67 = tpu.memref_slice %arg4[%add3A_63, %dma_start3A_66] : memref<106496x128xf32, #tpu.memory_space<hbm>> -> memref<128x128xf32, #tpu.memory_space<hbm>>
          tpu.enqueue_dma source(%arg6 : memref<128x128xf32, #tpu.memory_space<vmem>>) target(%dma_start3A_67 : memref<128x128xf32, #tpu.memory_space<hbm>>) target_semaphore(%run_scoped3A : memref<!tpu.dma_semaphore, #tpu.memory_space<semaphore_mem>>)
          %dma_wait3A_68 = arith.constant 0 : i32
          %dma_wait3A_69 = tpu.memref_slice %arg4[%add3A_63, %dma_wait3A_68] : memref<106496x128xf32, #tpu.memory_space<hbm>> -> memref<128x128xf32, #tpu.memory_space<hbm>>
          %dma_wait3A_70 = arith.constant 0 : i32
          %dma_wait3A_71 = tpu.memref_slice %arg4[%add3A_63, %dma_wait3A_70] : memref<106496x128xf32, #tpu.memory_space<hbm>> -> memref<128x128xf32, #tpu.memory_space<hbm>>
          tpu.wait_dma2 semaphore(%run_scoped3A : memref<!tpu.dma_semaphore, #tpu.memory_space<semaphore_mem>>) src(%arg6 : memref<128x128xf32, #tpu.memory_space<vmem>>) dst(%dma_wait3A_71 : memref<128x128xf32, #tpu.memory_space<hbm>>)
          tpu.yield
        }) : () -> ()
      } else {
      }
      %eq3A_49 = arith.constant 1 : i32
      %eq3A_50 = arith.cmpi eq, %select_n3A_25, %eq3A_49 : i32
      %convert_element_type3A_51 = arith.extui %eq3A_50 : i1 to i32
      %cond3A_52 = arith.constant 0 : i32
      %cond3A_53 = arith.cmpi ne, %convert_element_type3A_51, %cond3A_52 : i32
      scf.if %cond3A_53 {
        %dma_wait3A = arith.constant 0 : i32
        %dma_wait3A_55 = arith.constant 0 : i32
        %dma_wait3A_56 = tpu.memref_slice %arg5[%dma_wait3A, %dma_wait3A_55] : memref<26x128xi32, #tpu.memory_space<vmem>> -> memref<1x128xi32, #tpu.memory_space<vmem>>
        %dma_wait3A_57 = tpu.memref_squeeze %dma_wait3A_56 : memref<1x128xi32, #tpu.memory_space<vmem>> -> memref<128xi32, #tpu.memory_space<vmem>>
        %dma_wait3A_58 = arith.constant 0 : i32
        %dma_wait3A_59 = arith.constant 0 : i32
        %dma_wait3A_60 = tpu.memref_slice %arg2[%dma_wait3A_58, %dma_wait3A_59] : memref<26000x128xf32, #tpu.memory_space<hbm>> -> memref<26000x128xf32, #tpu.memory_space<hbm>>
        tpu.wait_indirect_dma semaphore(%arg9 : memref<!tpu.dma_semaphore, #tpu.memory_space<semaphore_mem>>) src(%dma_wait3A_60 : memref<26000x128xf32, #tpu.memory_space<hbm>>) dst(%arg7 : memref<128x128xf32, #tpu.memory_space<vmem>>)
        %mul3A_61 = arith.constant 128 : i32
        %mul3A_62 = arith.muli %scan3A_15, %mul3A_61 : i32
        %add3A_63 = arith.addi %mul3A_2, %mul3A_62 : i32
        "tpu.region"() ({
          %run_scoped3A = tpu.sem_alloc : memref<!tpu.dma_semaphore, #tpu.memory_space<semaphore_mem>>
          %dma_start3A_64 = arith.constant 0 : i32
          %dma_start3A_65 = tpu.memref_slice %arg4[%add3A_63, %dma_start3A_64] : memref<106496x128xf32, #tpu.memory_space<hbm>> -> memref<128x128xf32, #tpu.memory_space<hbm>>
          %dma_start3A_66 = arith.constant 0 : i32
          %dma_start3A_67 = tpu.memref_slice %arg4[%add3A_63, %dma_start3A_66] : memref<106496x128xf32, #tpu.memory_space<hbm>> -> memref<128x128xf32, #tpu.memory_space<hbm>>
          tpu.enqueue_dma source(%arg7 : memref<128x128xf32, #tpu.memory_space<vmem>>) target(%dma_start3A_67 : memref<128x128xf32, #tpu.memory_space<hbm>>) target_semaphore(%run_scoped3A : memref<!tpu.dma_semaphore, #tpu.memory_space<semaphore_mem>>)
          %dma_wait3A_68 = arith.constant 0 : i32
          %dma_wait3A_69 = tpu.memref_slice %arg4[%add3A_63, %dma_wait3A_68] : memref<106496x128xf32, #tpu.memory_space<hbm>> -> memref<128x128xf32, #tpu.memory_space<hbm>>
          %dma_wait3A_70 = arith.constant 0 : i32
          %dma_wait3A_71 = tpu.memref_slice %arg4[%add3A_63, %dma_wait3A_70] : memref<106496x128xf32, #tpu.memory_space<hbm>> -> memref<128x128xf32, #tpu.memory_space<hbm>>
          tpu.wait_dma2 semaphore(%run_scoped3A : memref<!tpu.dma_semaphore, #tpu.memory_space<semaphore_mem>>) src(%arg7 : memref<128x128xf32, #tpu.memory_space<vmem>>) dst(%dma_wait3A_71 : memref<128x128xf32, #tpu.memory_space<hbm>>)
          tpu.yield
        }) : () -> ()
      } else {
      }
      %scan3A_54 = arith.constant 0 : i32
      scf.yield %scan3A_54 : i32
    }
    %scan3A_14 = arith.constant 26 : i32
    return
  }
}

#map = affine_map<(d0, d1) -> (0, 0)>
#map1 = affine_map<(d0, d1) -> (0, 0, 0)>
module attributes {stable_mosaic.version = 14 : i64} {
  func.func @k(%arg0: i32, %arg1: i32, %arg2: memref<26000x128xf32, #tpu.memory_space<hbm>>, %arg3: memref<32x26x128xi32, #tpu.memory_space<hbm>>, %arg4: memref<106496x128xf32, #tpu.memory_space<hbm>>, %arg5: memref<26x128xi32, #tpu.memory_space<vmem>>, %arg6: memref<128x128xf32, #tpu.memory_space<vmem>>, %arg7: memref<128x128xf32, #tpu.memory_space<vmem>>, %arg8: memref<!tpu.dma_semaphore, #tpu.memory_space<semaphore_mem>>, %arg9: memref<!tpu.dma_semaphore, #tpu.memory_space<semaphore_mem>>) attributes {dimension_semantics = [#tpu.dimension_semantics<core_parallel>, #tpu.dimension_semantics<subcore_parallel>], iteration_bounds = array<i64: 2, 16>, scalar_prefetch = 0 : i64, scratch_operands = 5 : i64, tpu.core_type = #tpu.core_type<sc_vector_subcore>, window_params = [{transform_indices = #map}, {transform_indices = #map1}, {transform_indices = #map}]} {
    %mul3A = arith.constant 2 : i32
    %mul3A_0 = arith.muli %arg1, %mul3A : i32
    %add3A = arith.addi %mul3A_0, %arg0 : i32
    "tpu.region"() ({
      %run_scoped3A = tpu.sem_alloc : memref<!tpu.dma_semaphore, #tpu.memory_space<semaphore_mem>>
      %dma_start3A_15 = arith.constant 0 : i32
      %dma_start3A_16 = arith.constant 0 : i32
      %dma_start3A_17 = tpu.memref_slice %arg3[%add3A, %dma_start3A_15, %dma_start3A_16] : memref<32x26x128xi32, #tpu.memory_space<hbm>> -> memref<1x26x128xi32, #tpu.memory_space<hbm>>
      %dma_start3A_18 = tpu.memref_squeeze %dma_start3A_17 : memref<1x26x128xi32, #tpu.memory_space<hbm>> -> memref<26x128xi32, #tpu.memory_space<hbm>>
      %dma_start3A_19 = arith.constant 0 : i32
      %dma_start3A_20 = arith.constant 0 : i32
      %dma_start3A_21 = tpu.memref_slice %arg3[%add3A, %dma_start3A_19, %dma_start3A_20] : memref<32x26x128xi32, #tpu.memory_space<hbm>> -> memref<1x26x128xi32, #tpu.memory_space<hbm>>
      %dma_start3A_22 = tpu.memref_squeeze %dma_start3A_21 : memref<1x26x128xi32, #tpu.memory_space<hbm>> -> memref<26x128xi32, #tpu.memory_space<hbm>>
      tpu.enqueue_dma source(%dma_start3A_22 : memref<26x128xi32, #tpu.memory_space<hbm>>) target(%arg5 : memref<26x128xi32, #tpu.memory_space<vmem>>) target_semaphore(%run_scoped3A : memref<!tpu.dma_semaphore, #tpu.memory_space<semaphore_mem>>)
      %dma_wait3A = arith.constant 0 : i32
      %dma_wait3A_23 = arith.constant 0 : i32
      %dma_wait3A_24 = tpu.memref_slice %arg3[%add3A, %dma_wait3A, %dma_wait3A_23] : memref<32x26x128xi32, #tpu.memory_space<hbm>> -> memref<1x26x128xi32, #tpu.memory_space<hbm>>
      %dma_wait3A_25 = tpu.memref_squeeze %dma_wait3A_24 : memref<1x26x128xi32, #tpu.memory_space<hbm>> -> memref<26x128xi32, #tpu.memory_space<hbm>>
      %dma_wait3A_26 = arith.constant 0 : i32
      %dma_wait3A_27 = arith.constant 0 : i32
      %dma_wait3A_28 = tpu.memref_slice %arg3[%add3A, %dma_wait3A_26, %dma_wait3A_27] : memref<32x26x128xi32, #tpu.memory_space<hbm>> -> memref<1x26x128xi32, #tpu.memory_space<hbm>>
      %dma_wait3A_29 = tpu.memref_squeeze %dma_wait3A_28 : memref<1x26x128xi32, #tpu.memory_space<hbm>> -> memref<26x128xi32, #tpu.memory_space<hbm>>
      tpu.wait_dma2 semaphore(%run_scoped3A : memref<!tpu.dma_semaphore, #tpu.memory_space<semaphore_mem>>) src(%dma_wait3A_29 : memref<26x128xi32, #tpu.memory_space<hbm>>) dst(%arg5 : memref<26x128xi32, #tpu.memory_space<vmem>>)
      tpu.yield
    }) : () -> ()
    %mul3A_1 = arith.constant 3328 : i32
    %mul3A_2 = arith.muli %add3A, %mul3A_1 : i32
    %dma_start3A = arith.constant 0 : i32
    %dma_start3A_3 = arith.constant 0 : i32
    %dma_start3A_4 = tpu.memref_slice %arg5[%dma_start3A, %dma_start3A_3] : memref<26x128xi32, #tpu.memory_space<vmem>> -> memref<1x128xi32, #tpu.memory_space<vmem>>
    %dma_start3A_5 = tpu.memref_squeeze %dma_start3A_4 : memref<1x128xi32, #tpu.memory_space<vmem>> -> memref<128xi32, #tpu.memory_space<vmem>>
    %dma_start3A_6 = arith.constant 0 : i32
    %dma_start3A_7 = arith.constant 0 : i32
    %dma_start3A_8 = tpu.memref_slice %arg2[%dma_start3A_6, %dma_start3A_7] : memref<26000x128xf32, #tpu.memory_space<hbm>> -> memref<26000x128xf32, #tpu.memory_space<hbm>>
    tpu.enqueue_indirect_dma source(%dma_start3A_8 : memref<26000x128xf32, #tpu.memory_space<hbm>>) target(%arg6 : memref<128x128xf32, #tpu.memory_space<vmem>>) offsets(%dma_start3A_5 : memref<128xi32, #tpu.memory_space<vmem>>) semaphore(%arg8 : memref<!tpu.dma_semaphore, #tpu.memory_space<semaphore_mem>>)
    %scan3A = arith.constant 0 : i32
    %scan3A_9 = arith.constant 0 : i32
    %scan3A_10 = arith.constant 26 : i32
    %scan3A_11 = arith.addi %scan3A_9, %scan3A_10 : i32
    %scan3A_12 = arith.constant 1 : i32
    %scan3A_13 = scf.for %scan3A_15 = %scan3A_9 to %scan3A_11 step %scan3A_12 iter_args(%scan3A_16 = %scan3A) -> (i32)  : i32 {
      %jit3A = arith.constant 2 : i32
      %eq3A = arith.constant 0 : i32
      %eq3A_17 = arith.cmpi eq, %jit3A, %eq3A : i32
      %jit3A_18 = arith.constant 1 : i32
      %select_n3A = arith.select %eq3A_17, %jit3A_18, %jit3A : i32
      %rem3A = arith.remsi %scan3A_15, %select_n3A : i32
      %ne3A = arith.constant 0 : i32
      %ne3A_19 = arith.cmpi ne, %rem3A, %ne3A : i32
      %lt3A = arith.constant 0 : i32
      %lt3A_20 = arith.cmpi slt, %rem3A, %lt3A : i32
      %lt3A_21 = arith.constant 0 : i32
      %lt3A_22 = arith.cmpi slt, %select_n3A, %lt3A_21 : i32
      %ne3A_23 = arith.xori %lt3A_20, %lt3A_22 : i1
      %and3A = arith.andi %ne3A_23, %ne3A_19 : i1
      %add3A_24 = arith.addi %rem3A, %select_n3A : i32
      %select_n3A_25 = arith.select %and3A, %add3A_24, %rem3A : i32
      %add3A_26 = arith.constant 1 : i32
      %add3A_27 = arith.addi %scan3A_15, %add3A_26 : i32
      %lt3A_28 = arith.constant 26 : i32
      %lt3A_29 = arith.cmpi slt, %add3A_27, %lt3A_28 : i32
      %eq3A_30 = arith.constant 0 : i32
      %eq3A_31 = arith.cmpi eq, %select_n3A_25, %eq3A_30 : i32
      %and3A_32 = arith.andi %lt3A_29, %eq3A_31 : i1
      %convert_element_type3A = arith.extui %and3A_32 : i1 to i32
      %cond3A = arith.constant 0 : i32
      %cond3A_33 = arith.cmpi ne, %convert_element_type3A, %cond3A : i32
      scf.if %cond3A_33 {
        %add3A_55 = arith.constant 1 : i32
        %add3A_56 = arith.addi %scan3A_15, %add3A_55 : i32
        %dma_start3A_57 = arith.constant 0 : i32
        %dma_start3A_58 = tpu.memref_slice %arg5[%add3A_56, %dma_start3A_57] : memref<26x128xi32, #tpu.memory_space<vmem>> -> memref<1x128xi32, #tpu.memory_space<vmem>>
        %dma_start3A_59 = tpu.memref_squeeze %dma_start3A_58 : memref<1x128xi32, #tpu.memory_space<vmem>> -> memref<128xi32, #tpu.memory_space<vmem>>
        %dma_start3A_60 = arith.constant 0 : i32
        %dma_start3A_61 = arith.constant 0 : i32
        %dma_start3A_62 = tpu.memref_slice %arg2[%dma_start3A_60, %dma_start3A_61] : memref<26000x128xf32, #tpu.memory_space<hbm>> -> memref<26000x128xf32, #tpu.memory_space<hbm>>
        tpu.enqueue_indirect_dma source(%dma_start3A_62 : memref<26000x128xf32, #tpu.memory_space<hbm>>) target(%arg7 : memref<128x128xf32, #tpu.memory_space<vmem>>) offsets(%dma_start3A_59 : memref<128xi32, #tpu.memory_space<vmem>>) semaphore(%arg9 : memref<!tpu.dma_semaphore, #tpu.memory_space<semaphore_mem>>)
      } else {
      }
      %add3A_34 = arith.constant 1 : i32
      %add3A_35 = arith.addi %scan3A_15, %add3A_34 : i32
      %lt3A_36 = arith.constant 26 : i32
      %lt3A_37 = arith.cmpi slt, %add3A_35, %lt3A_36 : i32
      %eq3A_38 = arith.constant 1 : i32
      %eq3A_39 = arith.cmpi eq, %select_n3A_25, %eq3A_38 : i32
      %and3A_40 = arith.andi %lt3A_37, %eq3A_39 : i1
      %convert_element_type3A_41 = arith.extui %and3A_40 : i1 to i32
      %cond3A_42 = arith.constant 0 : i32
      %cond3A_43 = arith.cmpi ne, %convert_element_type3A_41, %cond3A_42 : i32
      scf.if %cond3A_43 {
        %add3A_55 = arith.constant 1 : i32
        %add3A_56 = arith.addi %scan3A_15, %add3A_55 : i32
        %dma_start3A_57 = arith.constant 0 : i32
        %dma_start3A_58 = tpu.memref_slice %arg5[%add3A_56, %dma_start3A_57] : memref<26x128xi32, #tpu.memory_space<vmem>> -> memref<1x128xi32, #tpu.memory_space<vmem>>
        %dma_start3A_59 = tpu.memref_squeeze %dma_start3A_58 : memref<1x128xi32, #tpu.memory_space<vmem>> -> memref<128xi32, #tpu.memory_space<vmem>>
        %dma_start3A_60 = arith.constant 0 : i32
        %dma_start3A_61 = arith.constant 0 : i32
        %dma_start3A_62 = tpu.memref_slice %arg2[%dma_start3A_60, %dma_start3A_61] : memref<26000x128xf32, #tpu.memory_space<hbm>> -> memref<26000x128xf32, #tpu.memory_space<hbm>>
        tpu.enqueue_indirect_dma source(%dma_start3A_62 : memref<26000x128xf32, #tpu.memory_space<hbm>>) target(%arg6 : memref<128x128xf32, #tpu.memory_space<vmem>>) offsets(%dma_start3A_59 : memref<128xi32, #tpu.memory_space<vmem>>) semaphore(%arg8 : memref<!tpu.dma_semaphore, #tpu.memory_space<semaphore_mem>>)
      } else {
      }
      %eq3A_44 = arith.constant 0 : i32
      %eq3A_45 = arith.cmpi eq, %select_n3A_25, %eq3A_44 : i32
      %convert_element_type3A_46 = arith.extui %eq3A_45 : i1 to i32
      %cond3A_47 = arith.constant 0 : i32
      %cond3A_48 = arith.cmpi ne, %convert_element_type3A_46, %cond3A_47 : i32
      scf.if %cond3A_48 {
        %dma_wait3A = arith.constant 0 : i32
        %dma_wait3A_55 = arith.constant 0 : i32
        %dma_wait3A_56 = tpu.memref_slice %arg5[%dma_wait3A, %dma_wait3A_55] : memref<26x128xi32, #tpu.memory_space<vmem>> -> memref<1x128xi32, #tpu.memory_space<vmem>>
        %dma_wait3A_57 = tpu.memref_squeeze %dma_wait3A_56 : memref<1x128xi32, #tpu.memory_space<vmem>> -> memref<128xi32, #tpu.memory_space<vmem>>
        %dma_wait3A_58 = arith.constant 0 : i32
        %dma_wait3A_59 = arith.constant 0 : i32
        %dma_wait3A_60 = tpu.memref_slice %arg2[%dma_wait3A_58, %dma_wait3A_59] : memref<26000x128xf32, #tpu.memory_space<hbm>> -> memref<26000x128xf32, #tpu.memory_space<hbm>>
        tpu.wait_indirect_dma semaphore(%arg8 : memref<!tpu.dma_semaphore, #tpu.memory_space<semaphore_mem>>) src(%dma_wait3A_60 : memref<26000x128xf32, #tpu.memory_space<hbm>>) dst(%arg6 : memref<128x128xf32, #tpu.memory_space<vmem>>)
        %mul3A_61 = arith.constant 128 : i32
        %mul3A_62 = arith.muli %scan3A_15, %mul3A_61 : i32
        %add3A_63 = arith.addi %mul3A_2, %mul3A_62 : i32
        "tpu.region"() ({
          %run_scoped3A = tpu.sem_alloc : memref<!tpu.dma_semaphore, #tpu.memory_space<semaphore_mem>>
          %dma_start3A_64 = arith.constant 0 : i32
          %dma_start3A_65 = tpu.memref_slice %arg4[%add3A_63, %dma_start3A_64] : memref<106496x128xf32, #tpu.memory_space<hbm>> -> memref<128x128xf32, #tpu.memory_space<hbm>>
          %dma_start3A_66 = arith.constant 0 : i32
          %dma_start3A_67 = tpu.memref_slice %arg4[%add3A_63, %dma_start3A_66] : memref<106496x128xf32, #tpu.memory_space<hbm>> -> memref<128x128xf32, #tpu.memory_space<hbm>>
          tpu.enqueue_dma source(%arg6 : memref<128x128xf32, #tpu.memory_space<vmem>>) target(%dma_start3A_67 : memref<128x128xf32, #tpu.memory_space<hbm>>) target_semaphore(%run_scoped3A : memref<!tpu.dma_semaphore, #tpu.memory_space<semaphore_mem>>)
          %dma_wait3A_68 = arith.constant 0 : i32
          %dma_wait3A_69 = tpu.memref_slice %arg4[%add3A_63, %dma_wait3A_68] : memref<106496x128xf32, #tpu.memory_space<hbm>> -> memref<128x128xf32, #tpu.memory_space<hbm>>
          %dma_wait3A_70 = arith.constant 0 : i32
          %dma_wait3A_71 = tpu.memref_slice %arg4[%add3A_63, %dma_wait3A_70] : memref<106496x128xf32, #tpu.memory_space<hbm>> -> memref<128x128xf32, #tpu.memory_space<hbm>>
          tpu.wait_dma2 semaphore(%run_scoped3A : memref<!tpu.dma_semaphore, #tpu.memory_space<semaphore_mem>>) src(%arg6 : memref<128x128xf32, #tpu.memory_space<vmem>>) dst(%dma_wait3A_71 : memref<128x128xf32, #tpu.memory_space<hbm>>)
          tpu.yield
        }) : () -> ()
      } else {
      }
      %eq3A_49 = arith.constant 1 : i32
      %eq3A_50 = arith.cmpi eq, %select_n3A_25, %eq3A_49 : i32
      %convert_element_type3A_51 = arith.extui %eq3A_50 : i1 to i32
      %cond3A_52 = arith.constant 0 : i32
      %cond3A_53 = arith.cmpi ne, %convert_element_type3A_51, %cond3A_52 : i32
      scf.if %cond3A_53 {
        %dma_wait3A = arith.constant 0 : i32
        %dma_wait3A_55 = arith.constant 0 : i32
        %dma_wait3A_56 = tpu.memref_slice %arg5[%dma_wait3A, %dma_wait3A_55] : memref<26x128xi32, #tpu.memory_space<vmem>> -> memref<1x128xi32, #tpu.memory_space<vmem>>
        %dma_wait3A_57 = tpu.memref_squeeze %dma_wait3A_56 : memref<1x128xi32, #tpu.memory_space<vmem>> -> memref<128xi32, #tpu.memory_space<vmem>>
        %dma_wait3A_58 = arith.constant 0 : i32
        %dma_wait3A_59 = arith.constant 0 : i32
        %dma_wait3A_60 = tpu.memref_slice %arg2[%dma_wait3A_58, %dma_wait3A_59] : memref<26000x128xf32, #tpu.memory_space<hbm>> -> memref<26000x128xf32, #tpu.memory_space<hbm>>
        tpu.wait_indirect_dma semaphore(%arg9 : memref<!tpu.dma_semaphore, #tpu.memory_space<semaphore_mem>>) src(%dma_wait3A_60 : memref<26000x128xf32, #tpu.memory_space<hbm>>) dst(%arg7 : memref<128x128xf32, #tpu.memory_space<vmem>>)
        %mul3A_61 = arith.constant 128 : i32
        %mul3A_62 = arith.muli %scan3A_15, %mul3A_61 : i32
        %add3A_63 = arith.addi %mul3A_2, %mul3A_62 : i32
        "tpu.region"() ({
          %run_scoped3A = tpu.sem_alloc : memref<!tpu.dma_semaphore, #tpu.memory_space<semaphore_mem>>
          %dma_start3A_64 = arith.constant 0 : i32
          %dma_start3A_65 = tpu.memref_slice %arg4[%add3A_63, %dma_start3A_64] : memref<106496x128xf32, #tpu.memory_space<hbm>> -> memref<128x128xf32, #tpu.memory_space<hbm>>
          %dma_start3A_66 = arith.constant 0 : i32
          %dma_start3A_67 = tpu.memref_slice %arg4[%add3A_63, %dma_start3A_66] : memref<106496x128xf32, #tpu.memory_space<hbm>> -> memref<128x128xf32, #tpu.memory_space<hbm>>
          tpu.enqueue_dma source(%arg7 : memref<128x128xf32, #tpu.memory_space<vmem>>) target(%dma_start3A_67 : memref<128x128xf32, #tpu.memory_space<hbm>>) target_semaphore(%run_scoped3A : memref<!tpu.dma_semaphore, #tpu.memory_space<semaphore_mem>>)
          %dma_wait3A_68 = arith.constant 0 : i32
          %dma_wait3A_69 = tpu.memref_slice %arg4[%add3A_63, %dma_wait3A_68] : memref<106496x128xf32, #tpu.memory_space<hbm>> -> memref<128x128xf32, #tpu.memory_space<hbm>>
          %dma_wait3A_70 = arith.constant 0 : i32
          %dma_wait3A_71 = tpu.memref_slice %arg4[%add3A_63, %dma_wait3A_70] : memref<106496x128xf32, #tpu.memory_space<hbm>> -> memref<128x128xf32, #tpu.memory_space<hbm>>
          tpu.wait_dma2 semaphore(%run_scoped3A : memref<!tpu.dma_semaphore, #tpu.memory_space<semaphore_mem>>) src(%arg7 : memref<128x128xf32, #tpu.memory_space<vmem>>) dst(%dma_wait3A_71 : memref<128x128xf32, #tpu.memory_space<hbm>>)
          tpu.yield
        }) : () -> ()
      } else {
      }
      %scan3A_54 = arith.constant 0 : i32
      scf.yield %scan3A_54 : i32
    }
    %scan3A_14 = arith.constant 26 : i32
    return
  }
}

module attributes {stable_mosaic.version = 14 : i64} {
  func.func @body(%arg0: i32, %arg1: memref<13312x128xf32, #tpu.memory_space<vmem>>, %arg2: memref<512x13xf32, #tpu.memory_space<vmem>>, %arg3: memref<676x512xf32, #tpu.memory_space<vmem>>, %arg4: memref<13x512xf32, #tpu.memory_space<vmem>>, %arg5: memref<1x512xf32, #tpu.memory_space<vmem>>, %arg6: memref<512x1xf32, #tpu.memory_space<vmem>>, %arg7: memref<1x1xf32, #tpu.memory_space<vmem>>, %arg8: memref<512x1xf32, #tpu.memory_space<vmem>>) attributes {dimension_semantics = [#tpu.dimension_semantics<arbitrary>], iteration_bounds = array<i64: 8>, scalar_prefetch = 0 : i64, scratch_operands = 0 : i64, tpu.core_type = #tpu.core_type<tc>, window_params = [{transform_indices = @transform_0, window_bounds = array<i64: 13312, 128>}, {transform_indices = @transform_1, window_bounds = array<i64: 512, 13>}, {pipeline_mode = #tpu.pipeline_mode<synchronous>, transform_indices = @transform_2, window_bounds = array<i64: 676, 512>}, {pipeline_mode = #tpu.pipeline_mode<synchronous>, transform_indices = @transform_3, window_bounds = array<i64: 13, 512>}, {pipeline_mode = #tpu.pipeline_mode<synchronous>, transform_indices = @transform_4, window_bounds = array<i64: 1, 512>}, {pipeline_mode = #tpu.pipeline_mode<synchronous>, transform_indices = @transform_5, window_bounds = array<i64: 512, 1>}, {pipeline_mode = #tpu.pipeline_mode<synchronous>, transform_indices = @transform_6, window_bounds = array<i64: 1, 1>}, {transform_indices = @transform_7, window_bounds = array<i64: 512, 1>}]} {
    %get3A = arith.constant 0 : index
    %get3A_0 = arith.constant 0 : index
    %get3A_1 = vector.load %arg1[%get3A, %get3A_0] : memref<13312x128xf32, #tpu.memory_space<vmem>>, vector<13312x128xf32>
    %reshape3A = vector.shape_cast %get3A_1 : vector<13312x128xf32> to vector<512x26x128xf32>
    %dot_general3A = arith.constant dense<0.000000e+00> : vector<512x26x26xf32>
    %dot_general3A_2 = tpu.matmul %reshape3A, %reshape3A, %dot_general3A {dimension_numbers = #tpu.dot_dimension_numbers<[2], [2], [1], [1], [0, 0, 0, 1, 1, 1], [0], [0]>, transpose_lhs_hint = false} : vector<512x26x128xf32>, vector<512x26x128xf32>, vector<512x26x26xf32> -> vector<512x26x26xf32>
    %reshape3A_3 = vector.shape_cast %dot_general3A_2 : vector<512x26x26xf32> to vector<512x676xf32>
    %get3A_4 = arith.constant 0 : index
    %get3A_5 = arith.constant 0 : index
    %get3A_6 = vector.load %arg3[%get3A_4, %get3A_5] : memref<676x512xf32, #tpu.memory_space<vmem>>, vector<676x512xf32>
    %dot_general3A_7 = arith.constant dense<0.000000e+00> : vector<512x512xf32>
    %dot_general3A_8 = tpu.matmul %reshape3A_3, %get3A_6, %dot_general3A_7 {dimension_numbers = #tpu.dot_dimension_numbers<[1], [0], [0], [1], [0, 0, 1, 1], [], []>, transpose_lhs_hint = false} : vector<512x676xf32>, vector<676x512xf32>, vector<512x512xf32> -> vector<512x512xf32>
    %get3A_9 = arith.constant 0 : index
    %get3A_10 = arith.constant 0 : index
    %get3A_11 = vector.load %arg2[%get3A_9, %get3A_10] : memref<512x13xf32, #tpu.memory_space<vmem>>, vector<512x13xf32>
    %get3A_12 = arith.constant 0 : index
    %get3A_13 = arith.constant 0 : index
    %get3A_14 = vector.load %arg4[%get3A_12, %get3A_13] : memref<13x512xf32, #tpu.memory_space<vmem>>, vector<13x512xf32>
    %dot_general3A_15 = arith.constant dense<0.000000e+00> : vector<512x512xf32>
    %dot_general3A_16 = tpu.matmul %get3A_11, %get3A_14, %dot_general3A_15 {dimension_numbers = #tpu.dot_dimension_numbers<[1], [0], [0], [1], [0, 0, 1, 1], [], []>, transpose_lhs_hint = false} : vector<512x13xf32>, vector<13x512xf32>, vector<512x512xf32> -> vector<512x512xf32>
    %add3A = arith.addf %dot_general3A_8, %dot_general3A_16 : vector<512x512xf32>
    %get3A_17 = arith.constant 0 : index
    %get3A_18 = arith.constant 0 : index
    %get3A_19 = vector.load %arg5[%get3A_17, %get3A_18] : memref<1x512xf32, #tpu.memory_space<vmem>>, vector<1x512xf32>
    %add3A_20 = vector.broadcast %get3A_19 : vector<1x512xf32> to vector<512x512xf32>
    %add3A_21 = arith.addf %add3A, %add3A_20 : vector<512x512xf32>
    %max3A = arith.constant 0.000000e+00 : f32
    %max3A_22 = vector.broadcast %max3A : f32 to vector<512x512xf32>
    %max3A_23 = arith.maximumf %add3A_21, %max3A_22 : vector<512x512xf32>
    %get3A_24 = arith.constant 0 : index
    %get3A_25 = arith.constant 0 : index
    %get3A_26 = vector.load %arg6[%get3A_24, %get3A_25] : memref<512x1xf32, #tpu.memory_space<vmem>>, vector<512x1xf32>
    %dot_general3A_27 = arith.constant dense<0.000000e+00> : vector<512x1xf32>
    %dot_general3A_28 = tpu.matmul %max3A_23, %get3A_26, %dot_general3A_27 {dimension_numbers = #tpu.dot_dimension_numbers<[1], [0], [0], [1], [0, 0, 1, 1], [], []>, transpose_lhs_hint = false} : vector<512x512xf32>, vector<512x1xf32>, vector<512x1xf32> -> vector<512x1xf32>
    %get3A_29 = arith.constant 0 : index
    %get3A_30 = arith.constant 0 : index
    %get3A_31 = vector.load %arg7[%get3A_29, %get3A_30] : memref<1x1xf32, #tpu.memory_space<vmem>>, vector<1x1xf32>
    %add3A_32 = vector.broadcast %get3A_31 : vector<1x1xf32> to vector<512x1xf32>
    %add3A_33 = arith.addf %dot_general3A_28, %add3A_32 : vector<512x1xf32>
    %swap3A = arith.constant 0 : index
    %swap3A_34 = arith.constant 0 : index
    %swap3A_35 = vector.load %arg8[%swap3A, %swap3A_34] : memref<512x1xf32, #tpu.memory_space<vmem>>, vector<512x1xf32>
    tpu.vector_store %arg8[%swap3A, %swap3A_34], %add3A_33 {strides = array<i32>} : memref<512x1xf32, #tpu.memory_space<vmem>>, vector<512x1xf32>,
    return
  }
  func.func @transform_0(%arg0: i32) -> (i32, i32) {
    %c0_i32 = arith.constant 0 : i32
    %c0_i32_0 = arith.constant 0 : i32
    return %arg0, %c0_i32 : i32, i32
  }
  func.func @transform_1(%arg0: i32) -> (i32, i32) {
    %c0_i32 = arith.constant 0 : i32
    %c0_i32_0 = arith.constant 0 : i32
    return %arg0, %c0_i32 : i32, i32
  }
  func.func @transform_2(%arg0: i32) -> (i32, i32) {
    %c0_i32 = arith.constant 0 : i32
    %c0_i32_0 = arith.constant 0 : i32
    %c0_i32_1 = arith.constant 0 : i32
    return %c0_i32, %c0_i32_0 : i32, i32
  }
  func.func @transform_3(%arg0: i32) -> (i32, i32) {
    %c0_i32 = arith.constant 0 : i32
    %c0_i32_0 = arith.constant 0 : i32
    %c0_i32_1 = arith.constant 0 : i32
    return %c0_i32, %c0_i32_0 : i32, i32
  }
  func.func @transform_4(%arg0: i32) -> (i32, i32) {
    %c0_i32 = arith.constant 0 : i32
    %c0_i32_0 = arith.constant 0 : i32
    %c0_i32_1 = arith.constant 0 : i32
    return %c0_i32, %c0_i32_0 : i32, i32
  }
  func.func @transform_5(%arg0: i32) -> (i32, i32) {
    %c0_i32 = arith.constant 0 : i32
    %c0_i32_0 = arith.constant 0 : i32
    %c0_i32_1 = arith.constant 0 : i32
    return %c0_i32, %c0_i32_0 : i32, i32
  }
  func.func @transform_6(%arg0: i32) -> (i32, i32) {
    %c0_i32 = arith.constant 0 : i32
    %c0_i32_0 = arith.constant 0 : i32
    %c0_i32_1 = arith.constant 0 : i32
    return %c0_i32, %c0_i32_0 : i32, i32
  }
  func.func @transform_7(%arg0: i32) -> (i32, i32) {
    %c0_i32 = arith.constant 0 : i32
    %c0_i32_0 = arith.constant 0 : i32
    return %arg0, %c0_i32 : i32, i32
  }
}

</mosaic_0001>

<sc_bundles>
// kernel: kernel.10.cloned.1.call-start
scs
__scs_entry_jumppad:
0x0: {  	(pc) =	sbr.rel $0x88, $3  }
0x1: {  	(tag) =	ssettag $0x0;
	lr =	simm.s32 $0x1  }
0x2: {  	[smem:$0x3F9A] =	sst lr;
	_ =	strace $0xD0000000  }
0x3: {  	_ = 	snop  }
0x4: {  	_ = 	snop  }
0x5: {  	_ = 	snop  }
0x6: {  	_ = 	snop  }
0x7: {  	_ = 	snop  }
__scs_overlays_trampoline_lowered:
0x8: {  	[smem:$0x3FA9] =	sst s0  }
0x9: {  	[smem:$0x3FAA] =	sst s1  }
0xa: {  	[smem:$0x3FAB] =	sst s2  }
0xb: {  	[smem:$0x3FAC] =	sst s3  }
0xc: {  	[smem:$0x3FAD] =	sst s4  }
0xd: {  	[smem:$0x3FAE] =	sst s5  }
0xe: {  	[smem:$0x3FAF] =	sst s6  }
0xf: {  	[smem:$0x3FB0] =	sst s7  }
0x10: {  	[smem:$0x3FB1] =	sst s8  }
0x11: {  	[smem:$0x3FB2] =	sst s9;
	s0 =	simm.s32 @!p0 $0x0  }
0x12: {  	s1 =	sld [smem:$0x3F98];
	s0 =	simm.s32 @p0 $0x1  }
0x13: {  	[smem:$0x3FB3] =	sst s0;
	s0 =	simm.s32 @!p1 $0x0  }
0x14: {  	s2 =	sld [smem:$0x3F97];
	s0 =	simm.s32 @p1 $0x1  }
0x15: {  	[smem:$0x3FB4] =	sst s0;
	s0 =	simm.s32 @!p2 $0x0  }
0x16: {  	s3 =	sld [smem:$0x3FDB];
	s0 =	simm.s32 @p2 $0x1  }
0x17: {  	s4 =	simm.s32 $0x1BF5;
	[smem:$0x3FB6] =	sst s0  }
0x18: {  	s0 =	sld [smem:$0x3F99];
	_ =	swait.ge [sflag:s4], $0x0  }
0x19: {  	s7 =	sld [smem:$0x3F9A]  }
0x1a: {  	s8 =	sadd.s32 $0xFFFFE003, lr  }
0x1b: {  	s9 =	sadd.s32 $0xFFFFFEF7, lr;
	s5 =	simm.s32 $0xFFFFFFFF;
	p2 =	slt.u32 s8, $0xFFFFF086  }
0x1c: {  	p1 =	slt.u32 s9, $0xF7A;
	s5 =	simm.s32 @!p2 $0x0  }
0x1d: {  	s5 =	simm.s32 @p1 $0x1;
	p0 =	seq.s32 s7, s2  }
0x1e: {  	s7 =	smul.u32 @!p0 $0xF7A, s2;
	p2 =	seq.s32 @!p0 s5, $0x0  }
0x1f: {  	s9 =	smul.u32 $0xF7A, s1;
	s8 =	simm.s32 @!p0 $0x1BF5;
	p2 =	por !p2, p0  }
0x20: {  	[sflag:s8] =	ssyncset.s32 @!p0 $0xFFFFF086;
	s6 =	sadd.s32 @!p0 s3, s7;
	s7 =	simm.s32 @!p0 $0x108  }
0x21: {  	s3 =	sadd.s32 s3, s9;
	s6 =	sadd.s32 @!p0 $0x88, s6;
	s7 =	simm.s32 @p2 $0x1082  }
0x22: {  	[simem:s7], [sflag:s8] =	dma.local @!p0 [hbm:s6], $0xF7A  }
0x23: {  	s9 =	sor.u32 $0xD0000000, s2;
	s6 =	simm.s32 $0x108;
	_ =	swait.ge @!p0 [sflag:s8], $0x0  }
0x24: {  	s3 =	sadd.s32 $0x88, s3;
	s6 =	simm.s32 @!p1 $0x1082;
	[sflag:s4] =	ssyncset.s32 $0xFFFFF086  }
0x25: {  	[simem:s6], [sflag:s4] =	dma.local [hbm:s3], $0xF7A  }
0x26: {  	[smem:$0x3F9A] =	sst s1;
	(tag) =	ssettag s2;
	_ =	strace s9  }
0x27: {  	s1 =	sld [smem:$0x3FAA]  }
0x28: {  	s2 =	sld [smem:$0x3FAB]  }
0x29: {  	s4 =	sld [smem:$0x3FAD]  }
0x2a: {  	p0 =	seq.s32 s5, $0x0;
	s5 =	sld [smem:$0x3FAE]  }
0x2b: {  	s6 =	sld [smem:$0x3FAF]  }
0x2c: {  	s7 =	sld [smem:$0x3FB0]  }
0x2d: {  	s3 =	simm.s32 $0x108;
	s8 =	sld [smem:$0x3FB1]  }
0x2e: {  	s3 =	simm.s32 @!p0 $0x1082;
	s9 =	sld [smem:$0x3FB2]  }
0x2f: {  	lr =	sadd.s32 s0, s3;
	s0 =	sld [smem:$0x3FA9]  }
0x30: {  	s3 =	sld [smem:$0x3FAC]  }
0x31: {  	[smem:$0x3FB5] =	sst s10  }
0x32: {  	s10 =	sld [smem:$0x3FB3];
	_ =	sdelay $0x3  }
0x33: {  	p0 =	seq.s32 s10, $0x1;
	s10 =	sld [smem:$0x3FB5];
	_ =	sdelay $0x3  }
0x34: {  	[smem:$0x3FB5] =	sst s10  }
0x35: {  	s10 =	sld [smem:$0x3FB4];
	_ =	sdelay $0x3  }
0x36: {  	p1 =	seq.s32 s10, $0x1;
	s10 =	sld [smem:$0x3FB5];
	_ =	sdelay $0x3  }
0x37: {  	[smem:$0x3FB5] =	sst s10  }
0x38: {  	s10 =	sld [smem:$0x3FB6]  }
0x39: {  	_ = 	snop;
	(pc) =	sbr.ind lr, $3  }
0x3a: {  	_ = 	snop  }
0x3b: {  	_ = 	snop  }
0x3c: {  	p2 =	seq.s32 s10, $0x1;
	s10 =	sld [smem:$0x3FB5]  }
0x3d: {  	_ =	shalt  }
0x3e: {  	_ =	shalt  }
0x3f: {  	_ =	shalt  }
0x40: {  	_ =	shalt  }
0x41: {  	_ =	shalt  }
0x42: {  	_ =	shalt  }
0x43: {  	_ =	shalt  }
0x44: {  	_ =	shalt  }
0x45: {  	_ =	shalt  }
0x46: {  	_ =	shalt  }
0x47: {  	_ =	shalt  }
0x48: {  	_ =	shalt  }
0x49: {  	_ =	shalt  }
0x4a: {  	_ =	shalt  }
0x4b: {  	_ =	shalt  }
0x4c: {  	_ =	shalt  }
0x4d: {  	_ =	shalt  }
0x4e: {  	_ =	shalt  }
0x4f: {  	_ =	shalt  }
0x50: {  	_ =	shalt  }
0x51: {  	_ =	shalt  }
0x52: {  	_ =	shalt  }
0x53: {  	_ =	shalt  }
0x54: {  	_ =	shalt  }
0x55: {  	_ =	shalt  }
0x56: {  	_ =	shalt  }
0x57: {  	_ =	shalt  }
0x58: {  	_ =	shalt  }
0x59: {  	_ =	shalt  }
0x5a: {  	_ =	shalt  }
0x5b: {  	_ =	shalt  }
0x5c: {  	_ =	shalt  }
0x5d: {  	_ =	shalt  }
0x5e: {  	_ =	shalt  }
0x5f: {  	_ =	shalt  }
0x60: {  	_ =	shalt  }
0x61: {  	_ =	shalt  }
0x62: {  	_ =	shalt  }
0x63: {  	_ =	shalt  }
0x64: {  	_ =	shalt  }
0x65: {  	_ =	shalt  }
0x66: {  	_ =	shalt  }
0x67: {  	_ =	shalt  }
0x68: {  	_ =	shalt  }
0x69: {  	_ =	shalt  }
0x6a: {  	_ =	shalt  }
0x6b: {  	_ =	shalt  }
0x6c: {  	_ =	shalt  }
0x6d: {  	_ =	shalt  }
0x6e: {  	_ =	shalt  }
0x6f: {  	_ =	shalt  }
0x70: {  	_ =	shalt  }
0x71: {  	_ =	shalt  }
0x72: {  	_ =	shalt  }
0x73: {  	_ =	shalt  }
0x74: {  	_ =	shalt  }
0x75: {  	_ =	shalt  }
0x76: {  	_ =	shalt  }
0x77: {  	_ =	shalt  }
0x78: {  	_ =	shalt  }
0x79: {  	_ =	shalt  }
0x7a: {  	_ =	shalt  }
0x7b: {  	_ =	shalt  }
0x7c: {  	_ =	shalt  }
0x7d: {  	_ =	shalt  }
0x7e: {  	_ =	shalt  }
0x7f: {  	_ =	shalt  }
0x80: {  	_ =	shalt  }
0x81: {  	_ =	shalt  }
0x82: {  	_ =	shalt  }
0x83: {  	_ =	shalt  }
0x84: {  	_ =	shalt  }
0x85: {  	_ =	shalt  }
0x86: {  	_ =	shalt  }
0x87: {  	_ =	shalt  }
.Lfunc_end0:
.L_simem_size_0:
called_computation_lowered:
.L_overlay_start_0:
0x88: {  	s2 =	sld [smem:$0x3FD9]  }
0x89: {  	s3 =	sld [smem:$0x3FFE];
	_ =	sdelay $0x1  }
0x8a: {  	s1 =	srdreg.scid  }
0x8b: {  	s0 =	sand.u32 $0x1, s1  }
0x8c: {  	s17 =	sshll.u32 s0, $0xA;
	s2 =	sadd.s32 s3, s2  }
0x8d: {  	s2 =	sadd.s32 s2, s17  }
0x8e: {  	[smem:$0x3FC1] =	sst s2  }
0x8f: {  	_ = 	snop  }
0x90: {  	s18 =	sld [smem:$0x3FC7];
	(tm) =	ssettm $0x1  }
0x91: {  	s19 =	sld [smem:$0x3FFB];
	_ =	sdelay $0x3  }
0x92: {  	_ =	strace s19  }
0x93: {  	s2 =	sld [smem:$0x3FFC];
	_ =	sdelay $0x3  }
0x94: {  	_ =	strace s2  }
0x95: {  	s2 =	sld [smem:$0x3FFD];
	_ =	sdelay $0x3  }
0x96: {  	_ =	strace s2  }
0x97: {  	_ =	strace $0x8FFFFFFF  }
0x98: {  	s20 =	sld [smem:$0x3FDB];
	_ =	sdelay $0x1  }
0x99: {  	s4 =	simm.s32 $_scs_section_size  }
0x9a: {  	s5 =	simm.s32 $_size__tile_overlayer_lowered;
	s6 =	simm.s32 $_tile_overlayer_lowered  }
0x9b: {  	s7 =	simm.s32 $0x1BFF;
	s21 =	sshll.u32 s6, $0x1;
	s4 =	sadd.s32 s4, s20  }
0x9c: {  	s22 =	simm.s32 $0x0;
	s5 =	sshll.u32 s5, $0x1;
	s6 =	sadd.s32 s21, s4  }
0x9d: {  	[timem:s22], [sflag:s7] =	dma.local [hbm:s6], s5  }
0x9e: {  	_ =	swait.ge [sflag:s7], s5  }
0x9f: {  	s5 =	ssub.s32 $0x0, s5;
	[sflag:s7] =	ssyncset.done $0x0  }
0xa0: {  	[sflag:s7] =	ssyncadd.s32 s5;
	_ =	sdelay $0x1  }
0xa1: {  	s23 =	simm.s32 $0x1B8B  }
0xa2: {  	_ =	swait.ge [sflag:s23], $0x1  }
0xa3: {  	[sflag:s23] =	ssyncset.done $0x0  }
0xa4: {  	[sflag:s23] =	ssyncadd.s32 $0xFFFFFFFF  }
0xa5: {  	s5 =	sld [smem:$0x0]  }
0xa6: {  	s6 =	sand.u32 $0xFFFFFFFE, s1  }
0xa7: {  	p0 =	sne.s32 s1, s6  }
0xa8: {  	s6 =	sshll.u32 @p0 s6, $0xE  }
0xa9: {  	s6 =	sadd.s32 @p0 $0x11B8D, s6;
	s7 =	sshll.u32 @p0 s5, $0x11  }
0xaa: {  	s6 =	sor.u32 @p0 s7, s6  }
0xab: {  	[sflag:s6] =	ssyncadd.remote.s32 @p0 $0x1;
	_ =	sdelay $0x1  }
0xac: {  	s6 =	simm.s32 @p0 $0x1B8D  }
0xad: {  	_ =	swait.eq @p0 [sflag:s6], $0x1  }
0xae: {  	[sflag:s6] =	ssyncadd.s32 @p0 $0xFFFFFFFF  }
0xaf: {  	s7 =	sshll.u32 @!p0 s1, $0xE  }
0xb0: {  	s7 =	sor.u32 @!p0 $0x4000, s7;
	s6 =	simm.s32 @!p0 $0x1B8D  }
0xb1: {  	s5 =	sshll.u32 @!p0 s5, $0x11;
	s7 =	sadd.s32 @!p0 $0x11B8D, s7;
	_ =	swait.eq @!p0 [sflag:s6], $0x1  }
0xb2: {  	s5 =	sor.u32 @!p0 s5, s7;
	[sflag:s6] =	ssyncadd.s32 @!p0 $0xFFFFFFFF  }
0xb3: {  	s25 =	simm.s32 $0x1B8E;
	s24 =	sld [smem:$0x3FFE];
	[sflag:s5] =	ssyncadd.remote.s32 @!p0 $0x1  }
0xb4: {  	s26 =	simm.s32 $execute0_lowered;
	[smem:$0x3FD2] =	sst s25  }
0xb5: {  	s6 =	sshll.u32 s26, $0x1;
	_ =	strace $0x8000004F;
	[dreg:$0x1] =	wrdreg $0xFFFFFFFF  }
0xb6: {  	s28 =	simm.s32 $_size_execute0_lowered;
	s4 =	sadd.s32 s4, s6;
	[dreg:$0x0] =	wrdreg $0x0  }
0xb7: {  	s6 =	sshll.u32 s28, $0x1;
	[dreg:$0x2] =	wrdreg s4  }
0xb8: {  	[dreg:$0x3] =	wrdreg s6  }
0xb9: {  	[dreg:$0x4] =	wrdreg $0xC0  }
0xba: {  	_ =	task [dreg:s22], $0x5FFFF  }
0xbb: {  	[dreg:$0x1] =	wrdreg $0xFFFFFFFF  }
0xbc: {  	[dreg:$0x0] =	wrdreg $0x60  }
0xbd: {  	[dreg:$0x2] =	wrdreg s18  }
0xbe: {  	[dreg:$0x3] =	wrdreg s24  }
0xbf: {  	[dreg:$0x4] =	wrdreg $0x9  }
0xc0: {  	_ =	task.clear_ibuf [dreg:s22], $0x5FFFF;
	_ =	strace $0x9000004F  }
0xc1: {  	s29 =	simm.s32 $0x9;
	_ =	strace $0x80000051  }
0xc2: {  	_ =	swait.ge [sflag:s29], $0x1  }
0xc3: {  	[sflag:s29] =	ssyncadd.s32 $0xFFFFFFFF  }
0xc4: {  	_ =	strace $0x90000051  }
0xc5: {  	_ =	sfence  }
0xc6: {  	s30 =	sld [smem:$0x0];
	_ =	sdelay $0x2  }
0xc7: {  	s31 =	sshll.u32 s1, $0xD;
	s1 =	sshrl.u32 s1, $0x2  }
0xc8: {  	s4 =	sand.u32 $0x4000, s31;
	s1 =	sadd.s32 s1, s30  }
0xc9: {  	s0 =	sor.u32 s4, s0;
	s1 =	sshll.u32 s1, $0x11  }
0xca: {  	s0 =	sor.u32 s1, s0  }
0xcb: {  	s0 =	sadd.s32 $0x8F2B, s0  }
0xcc: {  	[sflag:s0] =	ssyncadd.remote.s32 $0x1  }
0xcd: {  	_ =	sfence.sel $0xFFFF  }
0xce: {  	[dreg:$0x0] =	wrdreg $0xFFFFFFFF;
	(pc) =	sbr.abs _section_cstart, $3  }
0xcf: {  	[dreg:$0x1] =	wrdreg $0xFFFFFFFF  }
0xd0: {  	_ =	task.clear_ibuf [dreg:s22], $0x2FFFF;
	_ =	strace $0x9FFFFFFF  }
0xd1: {  	(tm) =	ssettm $0x7FFFFFFF  }
tec
execute0_lowered:
.L_overlay_start_1:
0x0: {  	(tag) =	ssettag $0x1  }
0x1: {  	s2 =	rddreg [dreg:$0x0]  }
0x2: {  	s4 =	rddreg [dreg:$0x1]  }
0x3: {  	s0 =	rddreg [dreg:$0x2]  }
0x4: {  	s5 =	srdreg.scid;
	s1 =	stileid.u32;
	s3 =	simm.s32 $0x0  }
0x5: {  	s12 =	simm.s32 $0x0;
	s5 =	sand.u32 $0x1, s5;
	s6 =	sshll.u32 s1, $0x1  }
0x6: {  	[smem:$0x7FF] =	sst s3;
	s9 =	smul.u32 $0xD0000, s1;
	s11 =	sadd.s32 $0x4FE000, s4  }
0x7: {  	s6 =	sor.u32 s5, s6;
	s8 =	ssub.s32 $0x2, s5;
	s5 =	smul.u32 $0x68000, s5  }
0x8: {  	s7 =	smul.u32 $0x68000, s6;
	s6 =	sshll.u32 s6, $0x9;
	s10 =	sshrl.u32 s8, $0x1  }
0x9: {  	_ =	strace $0x80000050;
	s6 =	sadd.s32 s6, s4;
	s8 =	ssub.s32 s8, s10  }
0xa: {  	s31 =	sadd.s32 s5, s9;
	s9 =	simm.s32 $0x1000;
	s10 =	simm.s32 $0x2  }
0xb: {  	s7 =	sshrl.u32 s7, $0x3;
	s4 =	sadd.s32 $0x2000, s6;
	s5 =	smax.u32 s8, $0x1  }
0xc: {  	s8 =	simm.s32 $0x3;
	s30 =	sadd.s32 s11, s7;
	s7 =	sshrl.u32 s31, $0x3  }
0xd: {  	s6 =	sadd.s32 $0xC800, s30;
	s7 =	sadd.s32 s7, s11;
	s11 =	simm.s32 $0x5000  }
.LBB2_1:
0xe: {  	[tilespmem:s3], [sflag:$0x3] =	stream.linear.gather [hbm4b:s4+s3], $0xD00, $0x38;
	[tilespmem:$0x9000] =	vst v63  }
0xf: {  	_ =	swait.ge [sflag:s8], $0xD00  }
0x10: {  	s14 =	sand.u32 $0x1, s3;
	[sflag:s8] =	ssyncset.done $0x0  }
0x11: {  	s13 =	simm.s32 $0x80;
	p0 =	seq.s32 s14, $0x1;
	[sflag:s8] =	ssyncadd.s32 $0xFFFFF300  }
0x12: {  	[tilespmem:s9], [sflag:$0x1] =	stream.indirect.gather [hbm4b:s2+s13], $0x80, s3, s13, $0xb8;
	[tilespmem:$0x9000] =	vst v63  }
0x13: {  	p1 =	seq.s32 s14, $0x0;
	s15 =	simm.s32 @!p0 $0x80;
	s16 =	simm.s32 @!p0 $0x5000  }
0x14: {  	[tilespmem:s16], [sflag:$0x2] =	stream.indirect.gather @!p0 [hbm4b:s2+s15], $0x80, s13, s15, $0xb8;
	[tilespmem:$0x9000] =	vst v63  }
0x15: {  	p2 =	sne.s32 s14, $0x0;
	s15 =	simm.s32 @!p1 $0x80;
	s16 =	simm.s32 @!p1 $0x1000  }
0x16: {  	[tilespmem:s16], [sflag:$0x1] =	stream.indirect.gather @!p1 [hbm4b:s2+s15], $0x80, s13, s15, $0xb8;
	[tilespmem:$0x9000] =	vst v63  }
0x17: {  	s13 =	simm.s32 @!p2 $0x1  }
0x18: {  	_ =	swait.ge @!p2 [sflag:s13], $0x4000  }
0x19: {  	s14 =	simm.s32 @!p2 $0x0;
	[sflag:s13] =	ssyncset.done @!p2 $0x0  }
0x1a: {  	s15 =	simm.s32 @!p2 $0x1000;
	[sflag:s13] =	ssyncadd.s32 @!p2 $0xFFFFC000;
	s13 =	simm.s32 @!p2 $0x4  }
0x1b: {  	[hbm4b:s7+s14] =	stream.linear.scatter @!p2 [tilespmem:s15], [sflag:$0x4], $0x4000, $0x38;
	[tilespmem:$0x9000] =	vst v63  }
0x1c: {  	_ =	swait.ge @!p2 [sflag:s13], $0x4000  }
0x1d: {  	p0 =	por p0, p0;
	[sflag:s13] =	ssyncset.done @!p2 $0x0  }
0x1e: {  	s14 =	simm.s32 @p0 $0x2;
	[sflag:s13] =	ssyncadd.s32 @!p2 $0xFFFFC000  }
0x1f: {  	s31 =	simm.s32 $0x1;
	s17 =	simm.s32 @p0 $0x3;
	_ =	swait.ge @p0 [sflag:s14], $0x4000  }
0x20: {  	s16 =	simm.s32 @p0 $0x5000;
	s15 =	simm.s32 @p0 $0x0;
	[sflag:s14] =	ssyncset.done @p0 $0x0  }
0x21: {  	s13 =	sadd.s32 $0x800, s7;
	[sflag:s14] =	ssyncadd.s32 @p0 $0xFFFFC000;
	s14 =	simm.s32 $0x100  }
0x22: {  	[hbm4b:s7+s15] =	stream.linear.scatter @p0 [tilespmem:s16], [sflag:$0x3], $0x4000, $0x38;
	[tilespmem:$0x9000] =	vst v63  }
0x23: {  	s15 =	simm.s32 $0x2;
	s16 =	sand.u32 $0x1, s31;
	_ =	swait.ge @p0 [sflag:s17], $0x4000  }
.LBB2_2:
0x24: {  	p3 =	seq.s32 s16, $0x1;
	p1 =	seq.s32 s16, $0x0;
	[sflag:s17] =	ssyncset.done @p0 $0x0  }
0x25: {  	s18 =	simm.s32 @!p3 $0x80;
	s19 =	simm.s32 @!p3 $0x5000;
	[sflag:s17] =	ssyncadd.s32 @p0 $0xFFFFC000  }
0x26: {  	[tilespmem:s19], [sflag:$0x2] =	stream.indirect.gather @!p3 [hbm4b:s2+s18], $0x80, s14, s18, $0xb8;
	[tilespmem:$0x9000] =	vst v63  }
0x27: {  	p2 =	sne.s32 s16, $0x0;
	s17 =	simm.s32 @!p1 $0x80;
	s18 =	simm.s32 @!p1 $0x1000  }
0x28: {  	[tilespmem:s18], [sflag:$0x1] =	stream.indirect.gather @!p1 [hbm4b:s2+s17], $0x80, s14, s17, $0xb8;
	[tilespmem:$0x9000] =	vst v63  }
0x29: {  	s16 =	simm.s32 @!p2 $0x1;
	s18 =	smov.u32 s15;
	s15 =	sadd.s32 $0x1, s15  }
0x2a: {  	p0 =	por p3, p3;
	p1 =	sne.s32 s15, $0x19;
	_ =	swait.ge @!p2 [sflag:s16], $0x4000  }
0x2b: {  	s19 =	simm.s32 @!p2 $0x1000;
	s17 =	simm.s32 @!p2 $0x0;
	[sflag:s16] =	ssyncset.done @!p2 $0x0  }
0x2c: {  	[sflag:s16] =	ssyncadd.s32 @!p2 $0xFFFFC000;
	s16 =	simm.s32 @!p2 $0x4  }
0x2d: {  	[hbm4b:s13+s17] =	stream.linear.scatter @!p2 [tilespmem:s19], [sflag:$0x4], $0x4000, $0x38;
	[tilespmem:$0x9000] =	vst v63  }
0x2e: {  	_ =	swait.ge @!p2 [sflag:s16], $0x4000  }
0x2f: {  	s17 =	simm.s32 @p0 $0x2;
	[sflag:s16] =	ssyncset.done @!p2 $0x0  }
0x30: {  	[sflag:s16] =	ssyncadd.s32 @!p2 $0xFFFFC000  }
.Ltmp0:
0x31: {  	_ =	swait.ge @p0 [sflag:s17], $0x4000;
	(pc) =	sbr.rel @p1 .LBB2_2-.Ltmp0, $4  }
0x32: {  	s19 =	simm.s32 @p0 $0x5000;
	s16 =	simm.s32 @p0 $0x0;
	[sflag:s17] =	ssyncset.done @p0 $0x0  }
0x33: {  	s14 =	sadd.s32 $0x80, s14;
	[sflag:s17] =	ssyncadd.s32 @p0 $0xFFFFC000;
	s17 =	simm.s32 @p0 $0x3  }
0x34: {  	[hbm4b:s13+s16] =	stream.linear.scatter @p0 [tilespmem:s19], [sflag:$0x3], $0x4000, $0x38;
	[tilespmem:$0x9000] =	vst v63  }
0x35: {  	s16 =	sand.u32 $0x1, s18;
	s13 =	sadd.s32 $0x800, s13;
	_ =	swait.ge @p0 [sflag:s17], $0x4000  }
0x36: {  	p1 =	seq.s32 s16, $0x1;
	p2 =	seq.s32 s16, $0x0;
	[sflag:s17] =	ssyncset.done @p0 $0x0  }
0x37: {  	s15 =	simm.s32 @!p1 $0x80;
	s18 =	simm.s32 @!p1 $0x5000;
	[sflag:s17] =	ssyncadd.s32 @p0 $0xFFFFC000  }
0x38: {  	[tilespmem:s18], [sflag:$0x2] =	stream.indirect.gather @!p1 [hbm4b:s2+s15], $0x80, s14, s15, $0xb8;
	[tilespmem:$0x9000] =	vst v63  }
0x39: {  	s17 =	simm.s32 @!p2 $0x1000;
	p0 =	sne.s32 s16, $0x0;
	s15 =	simm.s32 @!p2 $0x80  }
0x3a: {  	[tilespmem:s17], [sflag:$0x1] =	stream.indirect.gather @!p2 [hbm4b:s2+s15], $0x80, s14, s15, $0xb8;
	[tilespmem:$0x9000] =	vst v63  }
0x3b: {  	s14 =	simm.s32 @!p0 $0x1  }
0x3c: {  	_ =	swait.ge @!p0 [sflag:s14], $0x4000  }
0x3d: {  	s16 =	simm.s32 @!p0 $0x1000;
	[sflag:s14] =	ssyncset.done @!p0 $0x0  }
0x3e: {  	s15 =	simm.s32 @!p0 $0x0;
	[sflag:s14] =	ssyncadd.s32 @!p0 $0xFFFFC000;
	s14 =	simm.s32 @!p0 $0x4  }
0x3f: {  	[hbm4b:s13+s15] =	stream.linear.scatter @!p0 [tilespmem:s16], [sflag:$0x4], $0x4000, $0x38;
	[tilespmem:$0x9000] =	vst v63  }
0x40: {  	_ =	swait.ge @!p0 [sflag:s14], $0x4000  }
0x41: {  	p1 =	por p1, p1;
	[sflag:s14] =	ssyncset.done @!p0 $0x0  }
0x42: {  	s15 =	simm.s32 @p1 $0x2;
	[sflag:s14] =	ssyncadd.s32 @!p0 $0xFFFFC000  }
0x43: {  	_ =	swait.ge @p1 [sflag:s15], $0x4000  }
0x44: {  	s16 =	simm.s32 @p1 $0x5000;
	[sflag:s15] =	ssyncset.done @p1 $0x0  }
0x45: {  	s14 =	simm.s32 @p1 $0x0;
	[sflag:s15] =	ssyncadd.s32 @p1 $0xFFFFC000;
	s15 =	simm.s32 @p1 $0x3  }
0x46: {  	[hbm4b:s13+s14] =	stream.linear.scatter @p1 [tilespmem:s16], [sflag:$0x3], $0x4000, $0x38;
	[tilespmem:$0x9000] =	vst v63  }
0x47: {  	_ =	swait.ge @p1 [sflag:s15], $0x4000  }
0x48: {  	[sflag:s15] =	ssyncset.done @p1 $0x0  }
0x49: {  	[sflag:s15] =	ssyncadd.s32 @p1 $0xFFFFC000  }
0x4a: {  	s12 =	sadd.s32 $0x1, s12;
	_ =	swait.ge [sflag:s10], $0x4000  }
0x4b: {  	p0 =	sne.s32 s12, s5;
	[sflag:s10] =	ssyncset.done $0x0  }
.Ltmp1:
0x4c: {  	[sflag:s10] =	ssyncadd.s32 $0xFFFFC000;
	(pc) =	sbr.rel @p0 .LBB2_1-.Ltmp1, $4  }
0x4d: {  	[hbm4b:s6+s3] =	stream.linear.scatter [tilespmem:s11], [sflag:$0x3], $0x4000, $0x38;
	[tilespmem:$0x9000] =	vst v63  }
0x4e: {  	_ =	swait.ge [sflag:s8], $0x4000  }
0x4f: {  	[sflag:s8] =	ssyncset.done $0x0  }
0x50: {  	[sflag:s8] =	ssyncadd.s32 $0xFFFFC000  }
0x51: {  	_ =	sfence.sel $0x180000  }
0x52: {  	[bflag:$0x0] =	sbarrier.arrive $0xFFFF  }
0x53: {  	p0 =	sne.s32 s1, $0x0;
	_ =	strace $0x90000050  }
0x54: {  	s0 =	sadd.s32 @!p0 $0x100000, s0;
	[bflag:$0x2] =	sbarrier.arrive $0xFFFF  }
0x55: {  	[sflag:s0] =	ssyncadd.tile.s32 @!p0 $0x1;
	_ =	shalt  }
.Lfunc_end2:
_tile_overlayer_lowered:
.L_overlay_start_2:
0x56: {  	(tag) =	ssettag $0x2  }
0x57: {  	s0 =	rddreg [dreg:$0x0];
	s2 =	stileid.u32  }
0x58: {  	s1 =	rddreg [dreg:$0x1];
	p0 =	sne.s32 s2, $0x0  }
0x59: {  	s3 =	rddreg [dreg:$0x2];
	[bflag:$0x3] =	sbarrier.arrive $0xFFFF;
	s2 =	simm.s32 @!p0 $0x1C03  }
0x5a: {  	[timem:s3], [sflag:s2] =	dma.local @!p0 [hbm:s0], s1  }
0x5b: {  	s0 =	simm.s32 @!p0 $0x3  }
0x5c: {  	_ =	swait.ge @!p0 [sflag:s0], s1  }
0x5d: {  	s1 =	ssub.s32 @!p0 $0x0, s1;
	[sflag:s0] =	ssyncset.done @!p0 $0x0  }
0x5e: {  	[sflag:s0] =	ssyncadd.s32 @!p0 s1  }
0x5f: {  	[bflag:$0x3] =	sbarrier.arrive $0xFFFF  }
0x60: {  	_ =	shalt  }

// kernel: kernel.13.cloned.1.call-start
scs
__scs_entry_jumppad:
0x0: {  	(pc) =	sbr.rel $0x88, $3  }
0x1: {  	(tag) =	ssettag $0x0;
	lr =	simm.s32 $0x1  }
0x2: {  	[smem:$0x3F9A] =	sst lr;
	_ =	strace $0xD0000000  }
0x3: {  	_ = 	snop  }
0x4: {  	_ = 	snop  }
0x5: {  	_ = 	snop  }
0x6: {  	_ = 	snop  }
0x7: {  	_ = 	snop  }
__scs_overlays_trampoline_lowered:
0x8: {  	[smem:$0x3FA9] =	sst s0  }
0x9: {  	[smem:$0x3FAA] =	sst s1  }
0xa: {  	[smem:$0x3FAB] =	sst s2  }
0xb: {  	[smem:$0x3FAC] =	sst s3  }
0xc: {  	[smem:$0x3FAD] =	sst s4  }
0xd: {  	[smem:$0x3FAE] =	sst s5  }
0xe: {  	[smem:$0x3FAF] =	sst s6  }
0xf: {  	[smem:$0x3FB0] =	sst s7  }
0x10: {  	[smem:$0x3FB1] =	sst s8  }
0x11: {  	[smem:$0x3FB2] =	sst s9;
	s0 =	simm.s32 @!p0 $0x0  }
0x12: {  	s1 =	sld [smem:$0x3F98];
	s0 =	simm.s32 @p0 $0x1  }
0x13: {  	[smem:$0x3FB3] =	sst s0;
	s0 =	simm.s32 @!p1 $0x0  }
0x14: {  	s2 =	sld [smem:$0x3F97];
	s0 =	simm.s32 @p1 $0x1  }
0x15: {  	[smem:$0x3FB4] =	sst s0;
	s0 =	simm.s32 @!p2 $0x0  }
0x16: {  	s3 =	sld [smem:$0x3FDB];
	s0 =	simm.s32 @p2 $0x1  }
0x17: {  	s4 =	simm.s32 $0x1BF5;
	[smem:$0x3FB6] =	sst s0  }
0x18: {  	s0 =	sld [smem:$0x3F99];
	_ =	swait.ge [sflag:s4], $0x0  }
0x19: {  	s7 =	sld [smem:$0x3F9A]  }
0x1a: {  	s8 =	sadd.s32 $0xFFFFE003, lr  }
0x1b: {  	s9 =	sadd.s32 $0xFFFFFEF7, lr;
	s5 =	simm.s32 $0xFFFFFFFF;
	p2 =	slt.u32 s8, $0xFFFFF086  }
0x1c: {  	p1 =	slt.u32 s9, $0xF7A;
	s5 =	simm.s32 @!p2 $0x0  }
0x1d: {  	s5 =	simm.s32 @p1 $0x1;
	p0 =	seq.s32 s7, s2  }
0x1e: {  	s7 =	smul.u32 @!p0 $0xF7A, s2;
	p2 =	seq.s32 @!p0 s5, $0x0  }
0x1f: {  	s9 =	smul.u32 $0xF7A, s1;
	s8 =	simm.s32 @!p0 $0x1BF5;
	p2 =	por !p2, p0  }
0x20: {  	[sflag:s8] =	ssyncset.s32 @!p0 $0xFFFFF086;
	s6 =	sadd.s32 @!p0 s3, s7;
	s7 =	simm.s32 @!p0 $0x108  }
0x21: {  	s3 =	sadd.s32 s3, s9;
	s6 =	sadd.s32 @!p0 $0x88, s6;
	s7 =	simm.s32 @p2 $0x1082  }
0x22: {  	[simem:s7], [sflag:s8] =	dma.local @!p0 [hbm:s6], $0xF7A  }
0x23: {  	s9 =	sor.u32 $0xD0000000, s2;
	s6 =	simm.s32 $0x108;
	_ =	swait.ge @!p0 [sflag:s8], $0x0  }
0x24: {  	s3 =	sadd.s32 $0x88, s3;
	s6 =	simm.s32 @!p1 $0x1082;
	[sflag:s4] =	ssyncset.s32 $0xFFFFF086  }
0x25: {  	[simem:s6], [sflag:s4] =	dma.local [hbm:s3], $0xF7A  }
0x26: {  	[smem:$0x3F9A] =	sst s1;
	(tag) =	ssettag s2;
	_ =	strace s9  }
0x27: {  	s1 =	sld [smem:$0x3FAA]  }
0x28: {  	s2 =	sld [smem:$0x3FAB]  }
0x29: {  	s4 =	sld [smem:$0x3FAD]  }
0x2a: {  	p0 =	seq.s32 s5, $0x0;
	s5 =	sld [smem:$0x3FAE]  }
0x2b: {  	s6 =	sld [smem:$0x3FAF]  }
0x2c: {  	s7 =	sld [smem:$0x3FB0]  }
0x2d: {  	s3 =	simm.s32 $0x108;
	s8 =	sld [smem:$0x3FB1]  }
0x2e: {  	s3 =	simm.s32 @!p0 $0x1082;
	s9 =	sld [smem:$0x3FB2]  }
0x2f: {  	lr =	sadd.s32 s0, s3;
	s0 =	sld [smem:$0x3FA9]  }
0x30: {  	s3 =	sld [smem:$0x3FAC]  }
0x31: {  	[smem:$0x3FB5] =	sst s10  }
0x32: {  	s10 =	sld [smem:$0x3FB3];
	_ =	sdelay $0x3  }
0x33: {  	p0 =	seq.s32 s10, $0x1;
	s10 =	sld [smem:$0x3FB5];
	_ =	sdelay $0x3  }
0x34: {  	[smem:$0x3FB5] =	sst s10  }
0x35: {  	s10 =	sld [smem:$0x3FB4];
	_ =	sdelay $0x3  }
0x36: {  	p1 =	seq.s32 s10, $0x1;
	s10 =	sld [smem:$0x3FB5];
	_ =	sdelay $0x3  }
0x37: {  	[smem:$0x3FB5] =	sst s10  }
0x38: {  	s10 =	sld [smem:$0x3FB6]  }
0x39: {  	_ = 	snop;
	(pc) =	sbr.ind lr, $3  }
0x3a: {  	_ = 	snop  }
0x3b: {  	_ = 	snop  }
0x3c: {  	p2 =	seq.s32 s10, $0x1;
	s10 =	sld [smem:$0x3FB5]  }
0x3d: {  	_ =	shalt  }
0x3e: {  	_ =	shalt  }
0x3f: {  	_ =	shalt  }
0x40: {  	_ =	shalt  }
0x41: {  	_ =	shalt  }
0x42: {  	_ =	shalt  }
0x43: {  	_ =	shalt  }
0x44: {  	_ =	shalt  }
0x45: {  	_ =	shalt  }
0x46: {  	_ =	shalt  }
0x47: {  	_ =	shalt  }
0x48: {  	_ =	shalt  }
0x49: {  	_ =	shalt  }
0x4a: {  	_ =	shalt  }
0x4b: {  	_ =	shalt  }
0x4c: {  	_ =	shalt  }
0x4d: {  	_ =	shalt  }
0x4e: {  	_ =	shalt  }
0x4f: {  	_ =	shalt  }
0x50: {  	_ =	shalt  }
0x51: {  	_ =	shalt  }
0x52: {  	_ =	shalt  }
0x53: {  	_ =	shalt  }
0x54: {  	_ =	shalt  }
0x55: {  	_ =	shalt  }
0x56: {  	_ =	shalt  }
0x57: {  	_ =	shalt  }
0x58: {  	_ =	shalt  }
0x59: {  	_ =	shalt  }
0x5a: {  	_ =	shalt  }
0x5b: {  	_ =	shalt  }
0x5c: {  	_ =	shalt  }
0x5d: {  	_ =	shalt  }
0x5e: {  	_ =	shalt  }
0x5f: {  	_ =	shalt  }
0x60: {  	_ =	shalt  }
0x61: {  	_ =	shalt  }
0x62: {  	_ =	shalt  }
0x63: {  	_ =	shalt  }
0x64: {  	_ =	shalt  }
0x65: {  	_ =	shalt  }
0x66: {  	_ =	shalt  }
0x67: {  	_ =	shalt  }
0x68: {  	_ =	shalt  }
0x69: {  	_ =	shalt  }
0x6a: {  	_ =	shalt  }
0x6b: {  	_ =	shalt  }
0x6c: {  	_ =	shalt  }
0x6d: {  	_ =	shalt  }
0x6e: {  	_ =	shalt  }
0x6f: {  	_ =	shalt  }
0x70: {  	_ =	shalt  }
0x71: {  	_ =	shalt  }
0x72: {  	_ =	shalt  }
0x73: {  	_ =	shalt  }
0x74: {  	_ =	shalt  }
0x75: {  	_ =	shalt  }
0x76: {  	_ =	shalt  }
0x77: {  	_ =	shalt  }
0x78: {  	_ =	shalt  }
0x79: {  	_ =	shalt  }
0x7a: {  	_ =	shalt  }
0x7b: {  	_ =	shalt  }
0x7c: {  	_ =	shalt  }
0x7d: {  	_ =	shalt  }
0x7e: {  	_ =	shalt  }
0x7f: {  	_ =	shalt  }
0x80: {  	_ =	shalt  }
0x81: {  	_ =	shalt  }
0x82: {  	_ =	shalt  }
0x83: {  	_ =	shalt  }
0x84: {  	_ =	shalt  }
0x85: {  	_ =	shalt  }
0x86: {  	_ =	shalt  }
0x87: {  	_ =	shalt  }
.Lfunc_end0:
.L_simem_size_0:
called_computation.1_lowered:
.L_overlay_start_0:
0x88: {  	s2 =	sld [smem:$0x3FD9]  }
0x89: {  	s3 =	sld [smem:$0x3FFE];
	_ =	sdelay $0x1  }
0x8a: {  	s1 =	srdreg.scid  }
0x8b: {  	s0 =	sand.u32 $0x1, s1  }
0x8c: {  	s17 =	sshll.u32 s0, $0xA;
	s2 =	sadd.s32 s3, s2  }
0x8d: {  	s2 =	sadd.s32 s2, s17  }
0x8e: {  	[smem:$0x3FC1] =	sst s2  }
0x8f: {  	_ = 	snop  }
0x90: {  	s2 =	sld [smem:$0x3FC7];
	(tm) =	ssettm $0x1  }
0x91: {  	s18 =	sld [smem:$0x3FFB];
	_ =	sdelay $0x3  }
0x92: {  	_ =	strace s18  }
0x93: {  	s3 =	sld [smem:$0x3FFC];
	_ =	sdelay $0x3  }
0x94: {  	_ =	strace s3  }
0x95: {  	s3 =	sld [smem:$0x3FFD];
	_ =	sdelay $0x3  }
0x96: {  	_ =	strace s3  }
0x97: {  	_ =	strace $0x8FFFFFFF  }
0x98: {  	s19 =	sld [smem:$0x3FDB];
	_ =	sdelay $0x1  }
0x99: {  	s4 =	simm.s32 $_scs_section_size  }
0x9a: {  	s5 =	simm.s32 $_size__tile_overlayer_lowered;
	s6 =	simm.s32 $_tile_overlayer_lowered  }
0x9b: {  	s22 =	simm.s32 $0x1BFF;
	s21 =	sshll.u32 s6, $0x1;
	s3 =	sadd.s32 s4, s19  }
0x9c: {  	s7 =	simm.s32 $0x0;
	s20 =	sshll.u32 s5, $0x1;
	s5 =	sadd.s32 s21, s3  }
0x9d: {  	[timem:s7], [sflag:s22] =	dma.local [hbm:s5], s20  }
0x9e: {  	_ =	swait.ge [sflag:s22], s20  }
0x9f: {  	s4 =	ssub.s32 $0x0, s20;
	[sflag:s22] =	ssyncset.done $0x0  }
0xa0: {  	[sflag:s22] =	ssyncadd.s32 s4;
	_ =	sdelay $0x1  }
0xa1: {  	s23 =	simm.s32 $0x1B8B  }
0xa2: {  	_ =	swait.ge [sflag:s23], $0x1  }
0xa3: {  	[sflag:s23] =	ssyncset.done $0x0  }
0xa4: {  	s25 =	simm.s32 $0x1B8E;
	s24 =	sld [smem:$0x3FFE];
	[sflag:s23] =	ssyncadd.s32 $0xFFFFFFFF  }
0xa5: {  	s26 =	simm.s32 $execute0_lowered;
	[smem:$0x3FD2] =	sst s25  }
0xa6: {  	s5 =	sshll.u32 s26, $0x1;
	_ =	strace $0x80000046;
	[dreg:$0x1] =	wrdreg $0xFFFFFFFF  }
0xa7: {  	s28 =	simm.s32 $_size_execute0_lowered;
	s3 =	sadd.s32 s3, s5;
	[dreg:$0x0] =	wrdreg $0x0  }
0xa8: {  	s5 =	sshll.u32 s28, $0x1;
	[dreg:$0x2] =	wrdreg s3  }
0xa9: {  	[dreg:$0x3] =	wrdreg s5  }
0xaa: {  	[dreg:$0x4] =	wrdreg $0xC0  }
0xab: {  	_ =	task [dreg:s7], $0x5FFFF  }
0xac: {  	[dreg:$0x1] =	wrdreg $0xFFFFFFFF  }
0xad: {  	[dreg:$0x0] =	wrdreg $0x60  }
0xae: {  	[dreg:$0x2] =	wrdreg s2  }
0xaf: {  	[dreg:$0x3] =	wrdreg s24  }
0xb0: {  	[dreg:$0x4] =	wrdreg $0xA  }
0xb1: {  	_ =	task.clear_ibuf [dreg:s7], $0x5FFFF;
	_ =	strace $0x90000046  }
0xb2: {  	s29 =	simm.s32 $0xA;
	_ =	strace $0x80000048  }
0xb3: {  	_ =	swait.ge [sflag:s29], $0x1  }
0xb4: {  	[sflag:s29] =	ssyncadd.s32 $0xFFFFFFFF  }
0xb5: {  	_ =	strace $0x90000048  }
0xb6: {  	_ =	sfence  }
0xb7: {  	s30 =	sld [smem:$0x0];
	_ =	sdelay $0x2  }
0xb8: {  	s31 =	sshll.u32 s1, $0xD;
	s1 =	sshrl.u32 s1, $0x2  }
0xb9: {  	s3 =	sand.u32 $0x4000, s31;
	s1 =	sadd.s32 s1, s30  }
0xba: {  	s0 =	sor.u32 s3, s0;
	s1 =	sshll.u32 s1, $0x11  }
0xbb: {  	s0 =	sor.u32 s1, s0  }
0xbc: {  	s0 =	sadd.s32 $0x8F2B, s0  }
0xbd: {  	[sflag:s0] =	ssyncadd.remote.s32 $0x1  }
0xbe: {  	_ =	sfence.sel $0xFFFF  }
0xbf: {  	[dreg:$0x0] =	wrdreg $0xFFFFFFFF;
	(pc) =	sbr.abs _section_cstart, $3  }
0xc0: {  	[dreg:$0x1] =	wrdreg $0xFFFFFFFF  }
0xc1: {  	_ =	task.clear_ibuf [dreg:s7], $0x2FFFF;
	_ =	strace $0x9FFFFFFF  }
0xc2: {  	(tm) =	ssettm $0x7FFFFFFF  }
0xc3: {  	_ =	shalt  }
tec
execute0_lowered:
.L_overlay_start_1:
0x0: {  	(tag) =	ssettag $0x1  }
0x1: {  	s2 =	rddreg [dreg:$0x0]  }
0x2: {  	s4 =	rddreg [dreg:$0x1]  }
0x3: {  	s0 =	rddreg [dreg:$0x2]  }
0x4: {  	s5 =	srdreg.scid;
	s1 =	stileid.u32;
	s3 =	simm.s32 $0x0  }
0x5: {  	s12 =	simm.s32 $0x0;
	s5 =	sand.u32 $0x1, s5;
	s6 =	sshll.u32 s1, $0x1  }
0x6: {  	[smem:$0x7FF] =	sst s3;
	s9 =	smul.u32 $0xD0000, s1;
	s11 =	sadd.s32 $0x1E000, s4  }
0x7: {  	s6 =	sor.u32 s5, s6;
	s8 =	ssub.s32 $0x2, s5;
	s5 =	smul.u32 $0x68000, s5  }
0x8: {  	s7 =	smul.u32 $0x68000, s6;
	s6 =	sshll.u32 s6, $0x9;
	s10 =	sshrl.u32 s8, $0x1  }
0x9: {  	_ =	strace $0x80000047;
	s6 =	sadd.s32 s6, s4;
	s8 =	ssub.s32 s8, s10  }
0xa: {  	s31 =	sadd.s32 s5, s9;
	s9 =	simm.s32 $0x1000;
	s10 =	simm.s32 $0x2  }
0xb: {  	s7 =	sshrl.u32 s7, $0x3;
	s4 =	sadd.s32 $0x12000, s6;
	s5 =	smax.u32 s8, $0x1  }
0xc: {  	s8 =	simm.s32 $0x3;
	s30 =	sadd.s32 s11, s7;
	s7 =	sshrl.u32 s31, $0x3  }
0xd: {  	s6 =	sadd.s32 $0xC800, s30;
	s7 =	sadd.s32 s7, s11;
	s11 =	simm.s32 $0x5000  }
.LBB2_1:
0xe: {  	[tilespmem:s3], [sflag:$0x3] =	stream.linear.gather [hbm4b:s4+s3], $0xD00, $0x38;
	[tilespmem:$0x9000] =	vst v63  }
0xf: {  	_ =	swait.ge [sflag:s8], $0xD00  }
0x10: {  	s14 =	sand.u32 $0x1, s3;
	[sflag:s8] =	ssyncset.done $0x0  }
0x11: {  	s13 =	simm.s32 $0x80;
	p0 =	seq.s32 s14, $0x1;
	[sflag:s8] =	ssyncadd.s32 $0xFFFFF300  }
0x12: {  	[tilespmem:s9], [sflag:$0x1] =	stream.indirect.gather [hbm4b:s2+s13], $0x80, s3, s13, $0xb8;
	[tilespmem:$0x9000] =	vst v63  }
0x13: {  	p1 =	seq.s32 s14, $0x0;
	s15 =	simm.s32 @!p0 $0x80;
	s16 =	simm.s32 @!p0 $0x5000  }
0x14: {  	[tilespmem:s16], [sflag:$0x2] =	stream.indirect.gather @!p0 [hbm4b:s2+s15], $0x80, s13, s15, $0xb8;
	[tilespmem:$0x9000] =	vst v63  }
0x15: {  	p2 =	sne.s32 s14, $0x0;
	s15 =	simm.s32 @!p1 $0x80;
	s16 =	simm.s32 @!p1 $0x1000  }
0x16: {  	[tilespmem:s16], [sflag:$0x1] =	stream.indirect.gather @!p1 [hbm4b:s2+s15], $0x80, s13, s15, $0xb8;
	[tilespmem:$0x9000] =	vst v63  }
0x17: {  	s13 =	simm.s32 @!p2 $0x1  }
0x18: {  	_ =	swait.ge @!p2 [sflag:s13], $0x4000  }
0x19: {  	s14 =	simm.s32 @!p2 $0x0;
	[sflag:s13] =	ssyncset.done @!p2 $0x0  }
0x1a: {  	s15 =	simm.s32 @!p2 $0x1000;
	[sflag:s13] =	ssyncadd.s32 @!p2 $0xFFFFC000;
	s13 =	simm.s32 @!p2 $0x4  }
0x1b: {  	[hbm4b:s7+s14] =	stream.linear.scatter @!p2 [tilespmem:s15], [sflag:$0x4], $0x4000, $0x38;
	[tilespmem:$0x9000] =	vst v63  }
0x1c: {  	_ =	swait.ge @!p2 [sflag:s13], $0x4000  }
0x1d: {  	p0 =	por p0, p0;
	[sflag:s13] =	ssyncset.done @!p2 $0x0  }
0x1e: {  	s14 =	simm.s32 @p0 $0x2;
	[sflag:s13] =	ssyncadd.s32 @!p2 $0xFFFFC000  }
0x1f: {  	s31 =	simm.s32 $0x1;
	s17 =	simm.s32 @p0 $0x3;
	_ =	swait.ge @p0 [sflag:s14], $0x4000  }
0x20: {  	s16 =	simm.s32 @p0 $0x5000;
	s15 =	simm.s32 @p0 $0x0;
	[sflag:s14] =	ssyncset.done @p0 $0x0  }
0x21: {  	s13 =	sadd.s32 $0x800, s7;
	[sflag:s14] =	ssyncadd.s32 @p0 $0xFFFFC000;
	s14 =	simm.s32 $0x100  }
0x22: {  	[hbm4b:s7+s15] =	stream.linear.scatter @p0 [tilespmem:s16], [sflag:$0x3], $0x4000, $0x38;
	[tilespmem:$0x9000] =	vst v63  }
0x23: {  	s15 =	simm.s32 $0x2;
	s16 =	sand.u32 $0x1, s31;
	_ =	swait.ge @p0 [sflag:s17], $0x4000  }
.LBB2_2:
0x24: {  	p3 =	seq.s32 s16, $0x1;
	p1 =	seq.s32 s16, $0x0;
	[sflag:s17] =	ssyncset.done @p0 $0x0  }
0x25: {  	s18 =	simm.s32 @!p3 $0x80;
	s19 =	simm.s32 @!p3 $0x5000;
	[sflag:s17] =	ssyncadd.s32 @p0 $0xFFFFC000  }
0x26: {  	[tilespmem:s19], [sflag:$0x2] =	stream.indirect.gather @!p3 [hbm4b:s2+s18], $0x80, s14, s18, $0xb8;
	[tilespmem:$0x9000] =	vst v63  }
0x27: {  	p2 =	sne.s32 s16, $0x0;
	s17 =	simm.s32 @!p1 $0x80;
	s18 =	simm.s32 @!p1 $0x1000  }
0x28: {  	[tilespmem:s18], [sflag:$0x1] =	stream.indirect.gather @!p1 [hbm4b:s2+s17], $0x80, s14, s17, $0xb8;
	[tilespmem:$0x9000] =	vst v63  }
0x29: {  	s16 =	simm.s32 @!p2 $0x1;
	s18 =	smov.u32 s15;
	s15 =	sadd.s32 $0x1, s15  }
0x2a: {  	p0 =	por p3, p3;
	p1 =	sne.s32 s15, $0x19;
	_ =	swait.ge @!p2 [sflag:s16], $0x4000  }
0x2b: {  	s19 =	simm.s32 @!p2 $0x1000;
	s17 =	simm.s32 @!p2 $0x0;
	[sflag:s16] =	ssyncset.done @!p2 $0x0  }
0x2c: {  	[sflag:s16] =	ssyncadd.s32 @!p2 $0xFFFFC000;
	s16 =	simm.s32 @!p2 $0x4  }
0x2d: {  	[hbm4b:s13+s17] =	stream.linear.scatter @!p2 [tilespmem:s19], [sflag:$0x4], $0x4000, $0x38;
	[tilespmem:$0x9000] =	vst v63  }
0x2e: {  	_ =	swait.ge @!p2 [sflag:s16], $0x4000  }
0x2f: {  	s17 =	simm.s32 @p0 $0x2;
	[sflag:s16] =	ssyncset.done @!p2 $0x0  }
0x30: {  	[sflag:s16] =	ssyncadd.s32 @!p2 $0xFFFFC000  }
.Ltmp0:
0x31: {  	_ =	swait.ge @p0 [sflag:s17], $0x4000;
	(pc) =	sbr.rel @p1 .LBB2_2-.Ltmp0, $4  }
0x32: {  	s19 =	simm.s32 @p0 $0x5000;
	s16 =	simm.s32 @p0 $0x0;
	[sflag:s17] =	ssyncset.done @p0 $0x0  }
0x33: {  	s14 =	sadd.s32 $0x80, s14;
	[sflag:s17] =	ssyncadd.s32 @p0 $0xFFFFC000;
	s17 =	simm.s32 @p0 $0x3  }
0x34: {  	[hbm4b:s13+s16] =	stream.linear.scatter @p0 [tilespmem:s19], [sflag:$0x3], $0x4000, $0x38;
	[tilespmem:$0x9000] =	vst v63  }
0x35: {  	s16 =	sand.u32 $0x1, s18;
	s13 =	sadd.s32 $0x800, s13;
	_ =	swait.ge @p0 [sflag:s17], $0x4000  }
0x36: {  	p1 =	seq.s32 s16, $0x1;
	p2 =	seq.s32 s16, $0x0;
	[sflag:s17] =	ssyncset.done @p0 $0x0  }
0x37: {  	s15 =	simm.s32 @!p1 $0x80;
	s18 =	simm.s32 @!p1 $0x5000;
	[sflag:s17] =	ssyncadd.s32 @p0 $0xFFFFC000  }
0x38: {  	[tilespmem:s18], [sflag:$0x2] =	stream.indirect.gather @!p1 [hbm4b:s2+s15], $0x80, s14, s15, $0xb8;
	[tilespmem:$0x9000] =	vst v63  }
0x39: {  	s17 =	simm.s32 @!p2 $0x1000;
	p0 =	sne.s32 s16, $0x0;
	s15 =	simm.s32 @!p2 $0x80  }
0x3a: {  	[tilespmem:s17], [sflag:$0x1] =	stream.indirect.gather @!p2 [hbm4b:s2+s15], $0x80, s14, s15, $0xb8;
	[tilespmem:$0x9000] =	vst v63  }
0x3b: {  	s14 =	simm.s32 @!p0 $0x1  }
0x3c: {  	_ =	swait.ge @!p0 [sflag:s14], $0x4000  }
0x3d: {  	s16 =	simm.s32 @!p0 $0x1000;
	[sflag:s14] =	ssyncset.done @!p0 $0x0  }
0x3e: {  	s15 =	simm.s32 @!p0 $0x0;
	[sflag:s14] =	ssyncadd.s32 @!p0 $0xFFFFC000;
	s14 =	simm.s32 @!p0 $0x4  }
0x3f: {  	[hbm4b:s13+s15] =	stream.linear.scatter @!p0 [tilespmem:s16], [sflag:$0x4], $0x4000, $0x38;
	[tilespmem:$0x9000] =	vst v63  }
0x40: {  	_ =	swait.ge @!p0 [sflag:s14], $0x4000  }
0x41: {  	p1 =	por p1, p1;
	[sflag:s14] =	ssyncset.done @!p0 $0x0  }
0x42: {  	s15 =	simm.s32 @p1 $0x2;
	[sflag:s14] =	ssyncadd.s32 @!p0 $0xFFFFC000  }
0x43: {  	_ =	swait.ge @p1 [sflag:s15], $0x4000  }
0x44: {  	s16 =	simm.s32 @p1 $0x5000;
	[sflag:s15] =	ssyncset.done @p1 $0x0  }
0x45: {  	s14 =	simm.s32 @p1 $0x0;
	[sflag:s15] =	ssyncadd.s32 @p1 $0xFFFFC000;
	s15 =	simm.s32 @p1 $0x3  }
0x46: {  	[hbm4b:s13+s14] =	stream.linear.scatter @p1 [tilespmem:s16], [sflag:$0x3], $0x4000, $0x38;
	[tilespmem:$0x9000] =	vst v63  }
0x47: {  	_ =	swait.ge @p1 [sflag:s15], $0x4000  }
0x48: {  	[sflag:s15] =	ssyncset.done @p1 $0x0  }
0x49: {  	[sflag:s15] =	ssyncadd.s32 @p1 $0xFFFFC000  }
0x4a: {  	s12 =	sadd.s32 $0x1, s12;
	_ =	swait.ge [sflag:s10], $0x4000  }
0x4b: {  	p0 =	sne.s32 s12, s5;
	[sflag:s10] =	ssyncset.done $0x0  }
.Ltmp1:
0x4c: {  	[sflag:s10] =	ssyncadd.s32 $0xFFFFC000;
	(pc) =	sbr.rel @p0 .LBB2_1-.Ltmp1, $4  }
0x4d: {  	[hbm4b:s6+s3] =	stream.linear.scatter [tilespmem:s11], [sflag:$0x3], $0x4000, $0x38;
	[tilespmem:$0x9000] =	vst v63  }
0x4e: {  	_ =	swait.ge [sflag:s8], $0x4000  }
0x4f: {  	[sflag:s8] =	ssyncset.done $0x0  }
0x50: {  	[sflag:s8] =	ssyncadd.s32 $0xFFFFC000  }
0x51: {  	_ =	sfence.sel $0x180000  }
0x52: {  	[bflag:$0x0] =	sbarrier.arrive $0xFFFF  }
0x53: {  	p0 =	sne.s32 s1, $0x0;
	_ =	strace $0x90000047  }
0x54: {  	s0 =	sadd.s32 @!p0 $0x100000, s0;
	[bflag:$0x2] =	sbarrier.arrive $0xFFFF  }
0x55: {  	[sflag:s0] =	ssyncadd.tile.s32 @!p0 $0x1;
	_ =	shalt  }
.Lfunc_end2:
_tile_overlayer_lowered:
.L_overlay_start_2:
0x56: {  	(tag) =	ssettag $0x2  }
0x57: {  	s0 =	rddreg [dreg:$0x0];
	s2 =	stileid.u32  }
0x58: {  	s1 =	rddreg [dreg:$0x1];
	p0 =	sne.s32 s2, $0x0  }
0x59: {  	s3 =	rddreg [dreg:$0x2];
	[bflag:$0x3] =	sbarrier.arrive $0xFFFF;
	s2 =	simm.s32 @!p0 $0x1C03  }
0x5a: {  	[timem:s3], [sflag:s2] =	dma.local @!p0 [hbm:s0], s1  }
0x5b: {  	s0 =	simm.s32 @!p0 $0x3  }
0x5c: {  	_ =	swait.ge @!p0 [sflag:s0], s1  }
0x5d: {  	s1 =	ssub.s32 @!p0 $0x0, s1;
	[sflag:s0] =	ssyncset.done @!p0 $0x0  }
0x5e: {  	[sflag:s0] =	ssyncadd.s32 @!p0 s1  }
0x5f: {  	[bflag:$0x3] =	sbarrier.arrive $0xFFFF  }
0x60: {  	_ =	shalt  }

// kernel: kernel.16.cloned.1.call-start
scs
__scs_entry_jumppad:
0x0: {  	(pc) =	sbr.rel $0x88, $3  }
0x1: {  	(tag) =	ssettag $0x0;
	lr =	simm.s32 $0x1  }
0x2: {  	[smem:$0x3F9A] =	sst lr;
	_ =	strace $0xD0000000  }
0x3: {  	_ = 	snop  }
0x4: {  	_ = 	snop  }
0x5: {  	_ = 	snop  }
0x6: {  	_ = 	snop  }
0x7: {  	_ = 	snop  }
__scs_overlays_trampoline_lowered:
0x8: {  	[smem:$0x3FA9] =	sst s0  }
0x9: {  	[smem:$0x3FAA] =	sst s1  }
0xa: {  	[smem:$0x3FAB] =	sst s2  }
0xb: {  	[smem:$0x3FAC] =	sst s3  }
0xc: {  	[smem:$0x3FAD] =	sst s4  }
0xd: {  	[smem:$0x3FAE] =	sst s5  }
0xe: {  	[smem:$0x3FAF] =	sst s6  }
0xf: {  	[smem:$0x3FB0] =	sst s7  }
0x10: {  	[smem:$0x3FB1] =	sst s8  }
0x11: {  	[smem:$0x3FB2] =	sst s9;
	s0 =	simm.s32 @!p0 $0x0  }
0x12: {  	s1 =	sld [smem:$0x3F98];
	s0 =	simm.s32 @p0 $0x1  }
0x13: {  	[smem:$0x3FB3] =	sst s0;
	s0 =	simm.s32 @!p1 $0x0  }
0x14: {  	s2 =	sld [smem:$0x3F97];
	s0 =	simm.s32 @p1 $0x1  }
0x15: {  	[smem:$0x3FB4] =	sst s0;
	s0 =	simm.s32 @!p2 $0x0  }
0x16: {  	s3 =	sld [smem:$0x3FDB];
	s0 =	simm.s32 @p2 $0x1  }
0x17: {  	s4 =	simm.s32 $0x1BF5;
	[smem:$0x3FB6] =	sst s0  }
0x18: {  	s0 =	sld [smem:$0x3F99];
	_ =	swait.ge [sflag:s4], $0x0  }
0x19: {  	s7 =	sld [smem:$0x3F9A]  }
0x1a: {  	s8 =	sadd.s32 $0xFFFFE003, lr  }
0x1b: {  	s9 =	sadd.s32 $0xFFFFFEF7, lr;
	s5 =	simm.s32 $0xFFFFFFFF;
	p2 =	slt.u32 s8, $0xFFFFF086  }
0x1c: {  	p1 =	slt.u32 s9, $0xF7A;
	s5 =	simm.s32 @!p2 $0x0  }
0x1d: {  	s5 =	simm.s32 @p1 $0x1;
	p0 =	seq.s32 s7, s2  }
0x1e: {  	s7 =	smul.u32 @!p0 $0xF7A, s2;
	p2 =	seq.s32 @!p0 s5, $0x0  }
0x1f: {  	s9 =	smul.u32 $0xF7A, s1;
	s8 =	simm.s32 @!p0 $0x1BF5;
	p2 =	por !p2, p0  }
0x20: {  	[sflag:s8] =	ssyncset.s32 @!p0 $0xFFFFF086;
	s6 =	sadd.s32 @!p0 s3, s7;
	s7 =	simm.s32 @!p0 $0x108  }
0x21: {  	s3 =	sadd.s32 s3, s9;
	s6 =	sadd.s32 @!p0 $0x88, s6;
	s7 =	simm.s32 @p2 $0x1082  }
0x22: {  	[simem:s7], [sflag:s8] =	dma.local @!p0 [hbm:s6], $0xF7A  }
0x23: {  	s9 =	sor.u32 $0xD0000000, s2;
	s6 =	simm.s32 $0x108;
	_ =	swait.ge @!p0 [sflag:s8], $0x0  }
0x24: {  	s3 =	sadd.s32 $0x88, s3;
	s6 =	simm.s32 @!p1 $0x1082;
	[sflag:s4] =	ssyncset.s32 $0xFFFFF086  }
0x25: {  	[simem:s6], [sflag:s4] =	dma.local [hbm:s3], $0xF7A  }
0x26: {  	[smem:$0x3F9A] =	sst s1;
	(tag) =	ssettag s2;
	_ =	strace s9  }
0x27: {  	s1 =	sld [smem:$0x3FAA]  }
0x28: {  	s2 =	sld [smem:$0x3FAB]  }
0x29: {  	s4 =	sld [smem:$0x3FAD]  }
0x2a: {  	p0 =	seq.s32 s5, $0x0;
	s5 =	sld [smem:$0x3FAE]  }
0x2b: {  	s6 =	sld [smem:$0x3FAF]  }
0x2c: {  	s7 =	sld [smem:$0x3FB0]  }
0x2d: {  	s3 =	simm.s32 $0x108;
	s8 =	sld [smem:$0x3FB1]  }
0x2e: {  	s3 =	simm.s32 @!p0 $0x1082;
	s9 =	sld [smem:$0x3FB2]  }
0x2f: {  	lr =	sadd.s32 s0, s3;
	s0 =	sld [smem:$0x3FA9]  }
0x30: {  	s3 =	sld [smem:$0x3FAC]  }
0x31: {  	[smem:$0x3FB5] =	sst s10  }
0x32: {  	s10 =	sld [smem:$0x3FB3];
	_ =	sdelay $0x3  }
0x33: {  	p0 =	seq.s32 s10, $0x1;
	s10 =	sld [smem:$0x3FB5];
	_ =	sdelay $0x3  }
0x34: {  	[smem:$0x3FB5] =	sst s10  }
0x35: {  	s10 =	sld [smem:$0x3FB4];
	_ =	sdelay $0x3  }
0x36: {  	p1 =	seq.s32 s10, $0x1;
	s10 =	sld [smem:$0x3FB5];
	_ =	sdelay $0x3  }
0x37: {  	[smem:$0x3FB5] =	sst s10  }
0x38: {  	s10 =	sld [smem:$0x3FB6]  }
0x39: {  	_ = 	snop;
	(pc) =	sbr.ind lr, $3  }
0x3a: {  	_ = 	snop  }
0x3b: {  	_ = 	snop  }
0x3c: {  	p2 =	seq.s32 s10, $0x1;
	s10 =	sld [smem:$0x3FB5]  }
0x3d: {  	_ =	shalt  }
0x3e: {  	_ =	shalt  }
0x3f: {  	_ =	shalt  }
0x40: {  	_ =	shalt  }
0x41: {  	_ =	shalt  }
0x42: {  	_ =	shalt  }
0x43: {  	_ =	shalt  }
0x44: {  	_ =	shalt  }
0x45: {  	_ =	shalt  }
0x46: {  	_ =	shalt  }
0x47: {  	_ =	shalt  }
0x48: {  	_ =	shalt  }
0x49: {  	_ =	shalt  }
0x4a: {  	_ =	shalt  }
0x4b: {  	_ =	shalt  }
0x4c: {  	_ =	shalt  }
0x4d: {  	_ =	shalt  }
0x4e: {  	_ =	shalt  }
0x4f: {  	_ =	shalt  }
0x50: {  	_ =	shalt  }
0x51: {  	_ =	shalt  }
0x52: {  	_ =	shalt  }
0x53: {  	_ =	shalt  }
0x54: {  	_ =	shalt  }
0x55: {  	_ =	shalt  }
0x56: {  	_ =	shalt  }
0x57: {  	_ =	shalt  }
0x58: {  	_ =	shalt  }
0x59: {  	_ =	shalt  }
0x5a: {  	_ =	shalt  }
0x5b: {  	_ =	shalt  }
0x5c: {  	_ =	shalt  }
0x5d: {  	_ =	shalt  }
0x5e: {  	_ =	shalt  }
0x5f: {  	_ =	shalt  }
0x60: {  	_ =	shalt  }
0x61: {  	_ =	shalt  }
0x62: {  	_ =	shalt  }
0x63: {  	_ =	shalt  }
0x64: {  	_ =	shalt  }
0x65: {  	_ =	shalt  }
0x66: {  	_ =	shalt  }
0x67: {  	_ =	shalt  }
0x68: {  	_ =	shalt  }
0x69: {  	_ =	shalt  }
0x6a: {  	_ =	shalt  }
0x6b: {  	_ =	shalt  }
0x6c: {  	_ =	shalt  }
0x6d: {  	_ =	shalt  }
0x6e: {  	_ =	shalt  }
0x6f: {  	_ =	shalt  }
0x70: {  	_ =	shalt  }
0x71: {  	_ =	shalt  }
0x72: {  	_ =	shalt  }
0x73: {  	_ =	shalt  }
0x74: {  	_ =	shalt  }
0x75: {  	_ =	shalt  }
0x76: {  	_ =	shalt  }
0x77: {  	_ =	shalt  }
0x78: {  	_ =	shalt  }
0x79: {  	_ =	shalt  }
0x7a: {  	_ =	shalt  }
0x7b: {  	_ =	shalt  }
0x7c: {  	_ =	shalt  }
0x7d: {  	_ =	shalt  }
0x7e: {  	_ =	shalt  }
0x7f: {  	_ =	shalt  }
0x80: {  	_ =	shalt  }
0x81: {  	_ =	shalt  }
0x82: {  	_ =	shalt  }
0x83: {  	_ =	shalt  }
0x84: {  	_ =	shalt  }
0x85: {  	_ =	shalt  }
0x86: {  	_ =	shalt  }
0x87: {  	_ =	shalt  }
.Lfunc_end0:
.L_simem_size_0:
called_computation.2_lowered:
.L_overlay_start_0:
0x88: {  	s2 =	sld [smem:$0x3FD9]  }
0x89: {  	s3 =	sld [smem:$0x3FFE];
	_ =	sdelay $0x1  }
0x8a: {  	s1 =	srdreg.scid  }
0x8b: {  	s0 =	sand.u32 $0x1, s1  }
0x8c: {  	s17 =	sshll.u32 s0, $0xA;
	s2 =	sadd.s32 s3, s2  }
0x8d: {  	s2 =	sadd.s32 s2, s17  }
0x8e: {  	[smem:$0x3FC1] =	sst s2  }
0x8f: {  	_ = 	snop  }
0x90: {  	s18 =	sld [smem:$0x3FC7];
	(tm) =	ssettm $0x1  }
0x91: {  	s19 =	sld [smem:$0x3FFB];
	_ =	sdelay $0x3  }
0x92: {  	_ =	strace s19  }
0x93: {  	s2 =	sld [smem:$0x3FFC];
	_ =	sdelay $0x3  }
0x94: {  	_ =	strace s2  }
0x95: {  	s2 =	sld [smem:$0x3FFD];
	_ =	sdelay $0x3  }
0x96: {  	_ =	strace s2  }
0x97: {  	_ =	strace $0x8FFFFFFF  }
0x98: {  	s20 =	sld [smem:$0x3FDB];
	_ =	sdelay $0x1  }
0x99: {  	s4 =	simm.s32 $_scs_section_size  }
0x9a: {  	s5 =	simm.s32 $_size__tile_overlayer_lowered;
	s6 =	simm.s32 $_tile_overlayer_lowered  }
0x9b: {  	s7 =	simm.s32 $0x1BFF;
	s21 =	sshll.u32 s6, $0x1;
	s4 =	sadd.s32 s4, s20  }
0x9c: {  	s22 =	simm.s32 $0x0;
	s5 =	sshll.u32 s5, $0x1;
	s6 =	sadd.s32 s21, s4  }
0x9d: {  	[timem:s22], [sflag:s7] =	dma.local [hbm:s6], s5  }
0x9e: {  	_ =	swait.ge [sflag:s7], s5  }
0x9f: {  	s5 =	ssub.s32 $0x0, s5;
	[sflag:s7] =	ssyncset.done $0x0  }
0xa0: {  	[sflag:s7] =	ssyncadd.s32 s5;
	_ =	sdelay $0x1  }
0xa1: {  	s23 =	simm.s32 $0x1B8B  }
0xa2: {  	_ =	swait.ge [sflag:s23], $0x1  }
0xa3: {  	[sflag:s23] =	ssyncset.done $0x0  }
0xa4: {  	[sflag:s23] =	ssyncadd.s32 $0xFFFFFFFF  }
0xa5: {  	s5 =	sld [smem:$0x0]  }
0xa6: {  	s6 =	sand.u32 $0xFFFFFFFE, s1  }
0xa7: {  	p0 =	sne.s32 s1, s6  }
0xa8: {  	s6 =	sshll.u32 @p0 s6, $0xE  }
0xa9: {  	s6 =	sadd.s32 @p0 $0x11B8D, s6;
	s7 =	sshll.u32 @p0 s5, $0x11  }
0xaa: {  	s6 =	sor.u32 @p0 s7, s6  }
0xab: {  	[sflag:s6] =	ssyncadd.remote.s32 @p0 $0x1;
	_ =	sdelay $0x1  }
0xac: {  	s6 =	simm.s32 @p0 $0x1B8D  }
0xad: {  	_ =	swait.eq @p0 [sflag:s6], $0x1  }
0xae: {  	[sflag:s6] =	ssyncadd.s32 @p0 $0xFFFFFFFF  }
0xaf: {  	s7 =	sshll.u32 @!p0 s1, $0xE  }
0xb0: {  	s7 =	sor.u32 @!p0 $0x4000, s7;
	s6 =	simm.s32 @!p0 $0x1B8D  }
0xb1: {  	s5 =	sshll.u32 @!p0 s5, $0x11;
	s7 =	sadd.s32 @!p0 $0x11B8D, s7;
	_ =	swait.eq @!p0 [sflag:s6], $0x1  }
0xb2: {  	s5 =	sor.u32 @!p0 s5, s7;
	[sflag:s6] =	ssyncadd.s32 @!p0 $0xFFFFFFFF  }
0xb3: {  	s25 =	simm.s32 $0x1B8E;
	s24 =	sld [smem:$0x3FFE];
	[sflag:s5] =	ssyncadd.remote.s32 @!p0 $0x1  }
0xb4: {  	s26 =	simm.s32 $execute0_lowered;
	[smem:$0x3FD2] =	sst s25  }
0xb5: {  	s6 =	sshll.u32 s26, $0x1;
	_ =	strace $0x80000049;
	[dreg:$0x1] =	wrdreg $0xFFFFFFFF  }
0xb6: {  	s28 =	simm.s32 $_size_execute0_lowered;
	s4 =	sadd.s32 s4, s6;
	[dreg:$0x0] =	wrdreg $0x0  }
0xb7: {  	s6 =	sshll.u32 s28, $0x1;
	[dreg:$0x2] =	wrdreg s4  }
0xb8: {  	[dreg:$0x3] =	wrdreg s6  }
0xb9: {  	[dreg:$0x4] =	wrdreg $0xC0  }
0xba: {  	_ =	task [dreg:s22], $0x5FFFF  }
0xbb: {  	[dreg:$0x1] =	wrdreg $0xFFFFFFFF  }
0xbc: {  	[dreg:$0x0] =	wrdreg $0x60  }
0xbd: {  	[dreg:$0x2] =	wrdreg s18  }
0xbe: {  	[dreg:$0x3] =	wrdreg s24  }
0xbf: {  	[dreg:$0x4] =	wrdreg $0xB  }
0xc0: {  	_ =	task.clear_ibuf [dreg:s22], $0x5FFFF;
	_ =	strace $0x90000049  }
0xc1: {  	s29 =	simm.s32 $0xB;
	_ =	strace $0x8000004B  }
0xc2: {  	_ =	swait.ge [sflag:s29], $0x1  }
0xc3: {  	[sflag:s29] =	ssyncadd.s32 $0xFFFFFFFF  }
0xc4: {  	_ =	strace $0x9000004B  }
0xc5: {  	_ =	sfence  }
0xc6: {  	s30 =	sld [smem:$0x0];
	_ =	sdelay $0x2  }
0xc7: {  	s31 =	sshll.u32 s1, $0xD;
	s1 =	sshrl.u32 s1, $0x2  }
0xc8: {  	s4 =	sand.u32 $0x4000, s31;
	s1 =	sadd.s32 s1, s30  }
0xc9: {  	s0 =	sor.u32 s4, s0;
	s1 =	sshll.u32 s1, $0x11  }
0xca: {  	s0 =	sor.u32 s1, s0  }
0xcb: {  	s0 =	sadd.s32 $0x8F2B, s0  }
0xcc: {  	[sflag:s0] =	ssyncadd.remote.s32 $0x1  }
0xcd: {  	_ =	sfence.sel $0xFFFF  }
0xce: {  	[dreg:$0x0] =	wrdreg $0xFFFFFFFF;
	(pc) =	sbr.abs _section_cstart, $3  }
0xcf: {  	[dreg:$0x1] =	wrdreg $0xFFFFFFFF  }
0xd0: {  	_ =	task.clear_ibuf [dreg:s22], $0x2FFFF;
	_ =	strace $0x9FFFFFFF  }
0xd1: {  	(tm) =	ssettm $0x7FFFFFFF  }
tec
execute0_lowered:
.L_overlay_start_1:
0x0: {  	(tag) =	ssettag $0x1  }
0x1: {  	s2 =	rddreg [dreg:$0x0]  }
0x2: {  	s4 =	rddreg [dreg:$0x1]  }
0x3: {  	s0 =	rddreg [dreg:$0x2]  }
0x4: {  	s5 =	srdreg.scid;
	s1 =	stileid.u32;
	s3 =	simm.s32 $0x0  }
0x5: {  	s12 =	simm.s32 $0x0;
	s5 =	sand.u32 $0x1, s5;
	s6 =	sshll.u32 s1, $0x1  }
0x6: {  	[smem:$0x7FF] =	sst s3;
	s9 =	smul.u32 $0xD0000, s1;
	s11 =	sadd.s32 $0x1BE000, s4  }
0x7: {  	s6 =	sor.u32 s5, s6;
	s8 =	ssub.s32 $0x2, s5;
	s5 =	smul.u32 $0x68000, s5  }
0x8: {  	s7 =	smul.u32 $0x68000, s6;
	s6 =	sshll.u32 s6, $0x9;
	s10 =	sshrl.u32 s8, $0x1  }
0x9: {  	_ =	strace $0x8000004A;
	s6 =	sadd.s32 s6, s4;
	s8 =	ssub.s32 s8, s10  }
0xa: {  	s31 =	sadd.s32 s5, s9;
	s9 =	simm.s32 $0x1000;
	s10 =	simm.s32 $0x2  }
0xb: {  	s7 =	sshrl.u32 s7, $0x3;
	s4 =	sadd.s32 $0x16000, s6;
	s5 =	smax.u32 s8, $0x1  }
0xc: {  	s8 =	simm.s32 $0x3;
	s30 =	sadd.s32 s11, s7;
	s7 =	sshrl.u32 s31, $0x3  }
0xd: {  	s6 =	sadd.s32 $0xC800, s30;
	s7 =	sadd.s32 s7, s11;
	s11 =	simm.s32 $0x5000  }
.LBB2_1:
0xe: {  	[tilespmem:s3], [sflag:$0x3] =	stream.linear.gather [hbm4b:s4+s3], $0xD00, $0x38;
	[tilespmem:$0x9000] =	vst v63  }
0xf: {  	_ =	swait.ge [sflag:s8], $0xD00  }
0x10: {  	s14 =	sand.u32 $0x1, s3;
	[sflag:s8] =	ssyncset.done $0x0  }
0x11: {  	s13 =	simm.s32 $0x80;
	p0 =	seq.s32 s14, $0x1;
	[sflag:s8] =	ssyncadd.s32 $0xFFFFF300  }
0x12: {  	[tilespmem:s9], [sflag:$0x1] =	stream.indirect.gather [hbm4b:s2+s13], $0x80, s3, s13, $0xb8;
	[tilespmem:$0x9000] =	vst v63  }
0x13: {  	p1 =	seq.s32 s14, $0x0;
	s15 =	simm.s32 @!p0 $0x80;
	s16 =	simm.s32 @!p0 $0x5000  }
0x14: {  	[tilespmem:s16], [sflag:$0x2] =	stream.indirect.gather @!p0 [hbm4b:s2+s15], $0x80, s13, s15, $0xb8;
	[tilespmem:$0x9000] =	vst v63  }
0x15: {  	p2 =	sne.s32 s14, $0x0;
	s15 =	simm.s32 @!p1 $0x80;
	s16 =	simm.s32 @!p1 $0x1000  }
0x16: {  	[tilespmem:s16], [sflag:$0x1] =	stream.indirect.gather @!p1 [hbm4b:s2+s15], $0x80, s13, s15, $0xb8;
	[tilespmem:$0x9000] =	vst v63  }
0x17: {  	s13 =	simm.s32 @!p2 $0x1  }
0x18: {  	_ =	swait.ge @!p2 [sflag:s13], $0x4000  }
0x19: {  	s14 =	simm.s32 @!p2 $0x0;
	[sflag:s13] =	ssyncset.done @!p2 $0x0  }
0x1a: {  	s15 =	simm.s32 @!p2 $0x1000;
	[sflag:s13] =	ssyncadd.s32 @!p2 $0xFFFFC000;
	s13 =	simm.s32 @!p2 $0x4  }
0x1b: {  	[hbm4b:s7+s14] =	stream.linear.scatter @!p2 [tilespmem:s15], [sflag:$0x4], $0x4000, $0x38;
	[tilespmem:$0x9000] =	vst v63  }
0x1c: {  	_ =	swait.ge @!p2 [sflag:s13], $0x4000  }
0x1d: {  	p0 =	por p0, p0;
	[sflag:s13] =	ssyncset.done @!p2 $0x0  }
0x1e: {  	s14 =	simm.s32 @p0 $0x2;
	[sflag:s13] =	ssyncadd.s32 @!p2 $0xFFFFC000  }
0x1f: {  	s31 =	simm.s32 $0x1;
	s17 =	simm.s32 @p0 $0x3;
	_ =	swait.ge @p0 [sflag:s14], $0x4000  }
0x20: {  	s16 =	simm.s32 @p0 $0x5000;
	s15 =	simm.s32 @p0 $0x0;
	[sflag:s14] =	ssyncset.done @p0 $0x0  }
0x21: {  	s13 =	sadd.s32 $0x800, s7;
	[sflag:s14] =	ssyncadd.s32 @p0 $0xFFFFC000;
	s14 =	simm.s32 $0x100  }
0x22: {  	[hbm4b:s7+s15] =	stream.linear.scatter @p0 [tilespmem:s16], [sflag:$0x3], $0x4000, $0x38;
	[tilespmem:$0x9000] =	vst v63  }
0x23: {  	s15 =	simm.s32 $0x2;
	s16 =	sand.u32 $0x1, s31;
	_ =	swait.ge @p0 [sflag:s17], $0x4000  }
.LBB2_2:
0x24: {  	p3 =	seq.s32 s16, $0x1;
	p1 =	seq.s32 s16, $0x0;
	[sflag:s17] =	ssyncset.done @p0 $0x0  }
0x25: {  	s18 =	simm.s32 @!p3 $0x80;
	s19 =	simm.s32 @!p3 $0x5000;
	[sflag:s17] =	ssyncadd.s32 @p0 $0xFFFFC000  }
0x26: {  	[tilespmem:s19], [sflag:$0x2] =	stream.indirect.gather @!p3 [hbm4b:s2+s18], $0x80, s14, s18, $0xb8;
	[tilespmem:$0x9000] =	vst v63  }
0x27: {  	p2 =	sne.s32 s16, $0x0;
	s17 =	simm.s32 @!p1 $0x80;
	s18 =	simm.s32 @!p1 $0x1000  }
0x28: {  	[tilespmem:s18], [sflag:$0x1] =	stream.indirect.gather @!p1 [hbm4b:s2+s17], $0x80, s14, s17, $0xb8;
	[tilespmem:$0x9000] =	vst v63  }
0x29: {  	s16 =	simm.s32 @!p2 $0x1;
	s18 =	smov.u32 s15;
	s15 =	sadd.s32 $0x1, s15  }
0x2a: {  	p0 =	por p3, p3;
	p1 =	sne.s32 s15, $0x19;
	_ =	swait.ge @!p2 [sflag:s16], $0x4000  }
0x2b: {  	s19 =	simm.s32 @!p2 $0x1000;
	s17 =	simm.s32 @!p2 $0x0;
	[sflag:s16] =	ssyncset.done @!p2 $0x0  }
0x2c: {  	[sflag:s16] =	ssyncadd.s32 @!p2 $0xFFFFC000;
	s16 =	simm.s32 @!p2 $0x4  }
0x2d: {  	[hbm4b:s13+s17] =	stream.linear.scatter @!p2 [tilespmem:s19], [sflag:$0x4], $0x4000, $0x38;
	[tilespmem:$0x9000] =	vst v63  }
0x2e: {  	_ =	swait.ge @!p2 [sflag:s16], $0x4000  }
0x2f: {  	s17 =	simm.s32 @p0 $0x2;
	[sflag:s16] =	ssyncset.done @!p2 $0x0  }
0x30: {  	[sflag:s16] =	ssyncadd.s32 @!p2 $0xFFFFC000  }
.Ltmp0:
0x31: {  	_ =	swait.ge @p0 [sflag:s17], $0x4000;
	(pc) =	sbr.rel @p1 .LBB2_2-.Ltmp0, $4  }
0x32: {  	s19 =	simm.s32 @p0 $0x5000;
	s16 =	simm.s32 @p0 $0x0;
	[sflag:s17] =	ssyncset.done @p0 $0x0  }
0x33: {  	s14 =	sadd.s32 $0x80, s14;
	[sflag:s17] =	ssyncadd.s32 @p0 $0xFFFFC000;
	s17 =	simm.s32 @p0 $0x3  }
0x34: {  	[hbm4b:s13+s16] =	stream.linear.scatter @p0 [tilespmem:s19], [sflag:$0x3], $0x4000, $0x38;
	[tilespmem:$0x9000] =	vst v63  }
0x35: {  	s16 =	sand.u32 $0x1, s18;
	s13 =	sadd.s32 $0x800, s13;
	_ =	swait.ge @p0 [sflag:s17], $0x4000  }
0x36: {  	p1 =	seq.s32 s16, $0x1;
	p2 =	seq.s32 s16, $0x0;
	[sflag:s17] =	ssyncset.done @p0 $0x0  }
0x37: {  	s15 =	simm.s32 @!p1 $0x80;
	s18 =	simm.s32 @!p1 $0x5000;
	[sflag:s17] =	ssyncadd.s32 @p0 $0xFFFFC000  }
0x38: {  	[tilespmem:s18], [sflag:$0x2] =	stream.indirect.gather @!p1 [hbm4b:s2+s15], $0x80, s14, s15, $0xb8;
	[tilespmem:$0x9000] =	vst v63  }
0x39: {  	s17 =	simm.s32 @!p2 $0x1000;
	p0 =	sne.s32 s16, $0x0;
	s15 =	simm.s32 @!p2 $0x80  }
0x3a: {  	[tilespmem:s17], [sflag:$0x1] =	stream.indirect.gather @!p2 [hbm4b:s2+s15], $0x80, s14, s15, $0xb8;
	[tilespmem:$0x9000] =	vst v63  }
0x3b: {  	s14 =	simm.s32 @!p0 $0x1  }
0x3c: {  	_ =	swait.ge @!p0 [sflag:s14], $0x4000  }
0x3d: {  	s16 =	simm.s32 @!p0 $0x1000;
	[sflag:s14] =	ssyncset.done @!p0 $0x0  }
0x3e: {  	s15 =	simm.s32 @!p0 $0x0;
	[sflag:s14] =	ssyncadd.s32 @!p0 $0xFFFFC000;
	s14 =	simm.s32 @!p0 $0x4  }
0x3f: {  	[hbm4b:s13+s15] =	stream.linear.scatter @!p0 [tilespmem:s16], [sflag:$0x4], $0x4000, $0x38;
	[tilespmem:$0x9000] =	vst v63  }
0x40: {  	_ =	swait.ge @!p0 [sflag:s14], $0x4000  }
0x41: {  	p1 =	por p1, p1;
	[sflag:s14] =	ssyncset.done @!p0 $0x0  }
0x42: {  	s15 =	simm.s32 @p1 $0x2;
	[sflag:s14] =	ssyncadd.s32 @!p0 $0xFFFFC000  }
0x43: {  	_ =	swait.ge @p1 [sflag:s15], $0x4000  }
0x44: {  	s16 =	simm.s32 @p1 $0x5000;
	[sflag:s15] =	ssyncset.done @p1 $0x0  }
0x45: {  	s14 =	simm.s32 @p1 $0x0;
	[sflag:s15] =	ssyncadd.s32 @p1 $0xFFFFC000;
	s15 =	simm.s32 @p1 $0x3  }
0x46: {  	[hbm4b:s13+s14] =	stream.linear.scatter @p1 [tilespmem:s16], [sflag:$0x3], $0x4000, $0x38;
	[tilespmem:$0x9000] =	vst v63  }
0x47: {  	_ =	swait.ge @p1 [sflag:s15], $0x4000  }
0x48: {  	[sflag:s15] =	ssyncset.done @p1 $0x0  }
0x49: {  	[sflag:s15] =	ssyncadd.s32 @p1 $0xFFFFC000  }
0x4a: {  	s12 =	sadd.s32 $0x1, s12;
	_ =	swait.ge [sflag:s10], $0x4000  }
0x4b: {  	p0 =	sne.s32 s12, s5;
	[sflag:s10] =	ssyncset.done $0x0  }
.Ltmp1:
0x4c: {  	[sflag:s10] =	ssyncadd.s32 $0xFFFFC000;
	(pc) =	sbr.rel @p0 .LBB2_1-.Ltmp1, $4  }
0x4d: {  	[hbm4b:s6+s3] =	stream.linear.scatter [tilespmem:s11], [sflag:$0x3], $0x4000, $0x38;
	[tilespmem:$0x9000] =	vst v63  }
0x4e: {  	_ =	swait.ge [sflag:s8], $0x4000  }
0x4f: {  	[sflag:s8] =	ssyncset.done $0x0  }
0x50: {  	[sflag:s8] =	ssyncadd.s32 $0xFFFFC000  }
0x51: {  	_ =	sfence.sel $0x180000  }
0x52: {  	[bflag:$0x0] =	sbarrier.arrive $0xFFFF  }
0x53: {  	p0 =	sne.s32 s1, $0x0;
	_ =	strace $0x9000004A  }
0x54: {  	s0 =	sadd.s32 @!p0 $0x100000, s0;
	[bflag:$0x2] =	sbarrier.arrive $0xFFFF  }
0x55: {  	[sflag:s0] =	ssyncadd.tile.s32 @!p0 $0x1;
	_ =	shalt  }
.Lfunc_end2:
_tile_overlayer_lowered:
.L_overlay_start_2:
0x56: {  	(tag) =	ssettag $0x2  }
0x57: {  	s0 =	rddreg [dreg:$0x0];
	s2 =	stileid.u32  }
0x58: {  	s1 =	rddreg [dreg:$0x1];
	p0 =	sne.s32 s2, $0x0  }
0x59: {  	s3 =	rddreg [dreg:$0x2];
	[bflag:$0x3] =	sbarrier.arrive $0xFFFF;
	s2 =	simm.s32 @!p0 $0x1C03  }
0x5a: {  	[timem:s3], [sflag:s2] =	dma.local @!p0 [hbm:s0], s1  }
0x5b: {  	s0 =	simm.s32 @!p0 $0x3  }
0x5c: {  	_ =	swait.ge @!p0 [sflag:s0], s1  }
0x5d: {  	s1 =	ssub.s32 @!p0 $0x0, s1;
	[sflag:s0] =	ssyncset.done @!p0 $0x0  }
0x5e: {  	[sflag:s0] =	ssyncadd.s32 @!p0 s1  }
0x5f: {  	[bflag:$0x3] =	sbarrier.arrive $0xFFFF  }
0x60: {  	_ =	shalt  }

// kernel: kernel.19.cloned.1.call-start
scs
__scs_entry_jumppad:
0x0: {  	(pc) =	sbr.rel $0x88, $3  }
0x1: {  	(tag) =	ssettag $0x0;
	lr =	simm.s32 $0x1  }
0x2: {  	[smem:$0x3F9A] =	sst lr;
	_ =	strace $0xD0000000  }
0x3: {  	_ = 	snop  }
0x4: {  	_ = 	snop  }
0x5: {  	_ = 	snop  }
0x6: {  	_ = 	snop  }
0x7: {  	_ = 	snop  }
__scs_overlays_trampoline_lowered:
0x8: {  	[smem:$0x3FA9] =	sst s0  }
0x9: {  	[smem:$0x3FAA] =	sst s1  }
0xa: {  	[smem:$0x3FAB] =	sst s2  }
0xb: {  	[smem:$0x3FAC] =	sst s3  }
0xc: {  	[smem:$0x3FAD] =	sst s4  }
0xd: {  	[smem:$0x3FAE] =	sst s5  }
0xe: {  	[smem:$0x3FAF] =	sst s6  }
0xf: {  	[smem:$0x3FB0] =	sst s7  }
0x10: {  	[smem:$0x3FB1] =	sst s8  }
0x11: {  	[smem:$0x3FB2] =	sst s9;
	s0 =	simm.s32 @!p0 $0x0  }
0x12: {  	s1 =	sld [smem:$0x3F98];
	s0 =	simm.s32 @p0 $0x1  }
0x13: {  	[smem:$0x3FB3] =	sst s0;
	s0 =	simm.s32 @!p1 $0x0  }
0x14: {  	s2 =	sld [smem:$0x3F97];
	s0 =	simm.s32 @p1 $0x1  }
0x15: {  	[smem:$0x3FB4] =	sst s0;
	s0 =	simm.s32 @!p2 $0x0  }
0x16: {  	s3 =	sld [smem:$0x3FDB];
	s0 =	simm.s32 @p2 $0x1  }
0x17: {  	s4 =	simm.s32 $0x1BF5;
	[smem:$0x3FB6] =	sst s0  }
0x18: {  	s0 =	sld [smem:$0x3F99];
	_ =	swait.ge [sflag:s4], $0x0  }
0x19: {  	s7 =	sld [smem:$0x3F9A]  }
0x1a: {  	s8 =	sadd.s32 $0xFFFFE003, lr  }
0x1b: {  	s9 =	sadd.s32 $0xFFFFFEF7, lr;
	s5 =	simm.s32 $0xFFFFFFFF;
	p2 =	slt.u32 s8, $0xFFFFF086  }
0x1c: {  	p1 =	slt.u32 s9, $0xF7A;
	s5 =	simm.s32 @!p2 $0x0  }
0x1d: {  	s5 =	simm.s32 @p1 $0x1;
	p0 =	seq.s32 s7, s2  }
0x1e: {  	s7 =	smul.u32 @!p0 $0xF7A, s2;
	p2 =	seq.s32 @!p0 s5, $0x0  }
0x1f: {  	s9 =	smul.u32 $0xF7A, s1;
	s8 =	simm.s32 @!p0 $0x1BF5;
	p2 =	por !p2, p0  }
0x20: {  	[sflag:s8] =	ssyncset.s32 @!p0 $0xFFFFF086;
	s6 =	sadd.s32 @!p0 s3, s7;
	s7 =	simm.s32 @!p0 $0x108  }
0x21: {  	s3 =	sadd.s32 s3, s9;
	s6 =	sadd.s32 @!p0 $0x88, s6;
	s7 =	simm.s32 @p2 $0x1082  }
0x22: {  	[simem:s7], [sflag:s8] =	dma.local @!p0 [hbm:s6], $0xF7A  }
0x23: {  	s9 =	sor.u32 $0xD0000000, s2;
	s6 =	simm.s32 $0x108;
	_ =	swait.ge @!p0 [sflag:s8], $0x0  }
0x24: {  	s3 =	sadd.s32 $0x88, s3;
	s6 =	simm.s32 @!p1 $0x1082;
	[sflag:s4] =	ssyncset.s32 $0xFFFFF086  }
0x25: {  	[simem:s6], [sflag:s4] =	dma.local [hbm:s3], $0xF7A  }
0x26: {  	[smem:$0x3F9A] =	sst s1;
	(tag) =	ssettag s2;
	_ =	strace s9  }
0x27: {  	s1 =	sld [smem:$0x3FAA]  }
0x28: {  	s2 =	sld [smem:$0x3FAB]  }
0x29: {  	s4 =	sld [smem:$0x3FAD]  }
0x2a: {  	p0 =	seq.s32 s5, $0x0;
	s5 =	sld [smem:$0x3FAE]  }
0x2b: {  	s6 =	sld [smem:$0x3FAF]  }
0x2c: {  	s7 =	sld [smem:$0x3FB0]  }
0x2d: {  	s3 =	simm.s32 $0x108;
	s8 =	sld [smem:$0x3FB1]  }
0x2e: {  	s3 =	simm.s32 @!p0 $0x1082;
	s9 =	sld [smem:$0x3FB2]  }
0x2f: {  	lr =	sadd.s32 s0, s3;
	s0 =	sld [smem:$0x3FA9]  }
0x30: {  	s3 =	sld [smem:$0x3FAC]  }
0x31: {  	[smem:$0x3FB5] =	sst s10  }
0x32: {  	s10 =	sld [smem:$0x3FB3];
	_ =	sdelay $0x3  }
0x33: {  	p0 =	seq.s32 s10, $0x1;
	s10 =	sld [smem:$0x3FB5];
	_ =	sdelay $0x3  }
0x34: {  	[smem:$0x3FB5] =	sst s10  }
0x35: {  	s10 =	sld [smem:$0x3FB4];
	_ =	sdelay $0x3  }
0x36: {  	p1 =	seq.s32 s10, $0x1;
	s10 =	sld [smem:$0x3FB5];
	_ =	sdelay $0x3  }
0x37: {  	[smem:$0x3FB5] =	sst s10  }
0x38: {  	s10 =	sld [smem:$0x3FB6]  }
0x39: {  	_ = 	snop;
	(pc) =	sbr.ind lr, $3  }
0x3a: {  	_ = 	snop  }
0x3b: {  	_ = 	snop  }
0x3c: {  	p2 =	seq.s32 s10, $0x1;
	s10 =	sld [smem:$0x3FB5]  }
0x3d: {  	_ =	shalt  }
0x3e: {  	_ =	shalt  }
0x3f: {  	_ =	shalt  }
0x40: {  	_ =	shalt  }
0x41: {  	_ =	shalt  }
0x42: {  	_ =	shalt  }
0x43: {  	_ =	shalt  }
0x44: {  	_ =	shalt  }
0x45: {  	_ =	shalt  }
0x46: {  	_ =	shalt  }
0x47: {  	_ =	shalt  }
0x48: {  	_ =	shalt  }
0x49: {  	_ =	shalt  }
0x4a: {  	_ =	shalt  }
0x4b: {  	_ =	shalt  }
0x4c: {  	_ =	shalt  }
0x4d: {  	_ =	shalt  }
0x4e: {  	_ =	shalt  }
0x4f: {  	_ =	shalt  }
0x50: {  	_ =	shalt  }
0x51: {  	_ =	shalt  }
0x52: {  	_ =	shalt  }
0x53: {  	_ =	shalt  }
0x54: {  	_ =	shalt  }
0x55: {  	_ =	shalt  }
0x56: {  	_ =	shalt  }
0x57: {  	_ =	shalt  }
0x58: {  	_ =	shalt  }
0x59: {  	_ =	shalt  }
0x5a: {  	_ =	shalt  }
0x5b: {  	_ =	shalt  }
0x5c: {  	_ =	shalt  }
0x5d: {  	_ =	shalt  }
0x5e: {  	_ =	shalt  }
0x5f: {  	_ =	shalt  }
0x60: {  	_ =	shalt  }
0x61: {  	_ =	shalt  }
0x62: {  	_ =	shalt  }
0x63: {  	_ =	shalt  }
0x64: {  	_ =	shalt  }
0x65: {  	_ =	shalt  }
0x66: {  	_ =	shalt  }
0x67: {  	_ =	shalt  }
0x68: {  	_ =	shalt  }
0x69: {  	_ =	shalt  }
0x6a: {  	_ =	shalt  }
0x6b: {  	_ =	shalt  }
0x6c: {  	_ =	shalt  }
0x6d: {  	_ =	shalt  }
0x6e: {  	_ =	shalt  }
0x6f: {  	_ =	shalt  }
0x70: {  	_ =	shalt  }
0x71: {  	_ =	shalt  }
0x72: {  	_ =	shalt  }
0x73: {  	_ =	shalt  }
0x74: {  	_ =	shalt  }
0x75: {  	_ =	shalt  }
0x76: {  	_ =	shalt  }
0x77: {  	_ =	shalt  }
0x78: {  	_ =	shalt  }
0x79: {  	_ =	shalt  }
0x7a: {  	_ =	shalt  }
0x7b: {  	_ =	shalt  }
0x7c: {  	_ =	shalt  }
0x7d: {  	_ =	shalt  }
0x7e: {  	_ =	shalt  }
0x7f: {  	_ =	shalt  }
0x80: {  	_ =	shalt  }
0x81: {  	_ =	shalt  }
0x82: {  	_ =	shalt  }
0x83: {  	_ =	shalt  }
0x84: {  	_ =	shalt  }
0x85: {  	_ =	shalt  }
0x86: {  	_ =	shalt  }
0x87: {  	_ =	shalt  }
.Lfunc_end0:
.L_simem_size_0:
called_computation.3_lowered:
.L_overlay_start_0:
0x88: {  	s2 =	sld [smem:$0x3FD9]  }
0x89: {  	s3 =	sld [smem:$0x3FFE];
	_ =	sdelay $0x1  }
0x8a: {  	s1 =	srdreg.scid  }
0x8b: {  	s0 =	sand.u32 $0x1, s1  }
0x8c: {  	s17 =	sshll.u32 s0, $0xA;
	s2 =	sadd.s32 s3, s2  }
0x8d: {  	s2 =	sadd.s32 s2, s17  }
0x8e: {  	[smem:$0x3FC1] =	sst s2  }
0x8f: {  	_ = 	snop  }
0x90: {  	s18 =	sld [smem:$0x3FC7];
	(tm) =	ssettm $0x1  }
0x91: {  	s19 =	sld [smem:$0x3FFB];
	_ =	sdelay $0x3  }
0x92: {  	_ =	strace s19  }
0x93: {  	s2 =	sld [smem:$0x3FFC];
	_ =	sdelay $0x3  }
0x94: {  	_ =	strace s2  }
0x95: {  	s2 =	sld [smem:$0x3FFD];
	_ =	sdelay $0x3  }
0x96: {  	_ =	strace s2  }
0x97: {  	_ =	strace $0x8FFFFFFF  }
0x98: {  	s20 =	sld [smem:$0x3FDB];
	_ =	sdelay $0x1  }
0x99: {  	s4 =	simm.s32 $_scs_section_size  }
0x9a: {  	s5 =	simm.s32 $_size__tile_overlayer_lowered;
	s6 =	simm.s32 $_tile_overlayer_lowered  }
0x9b: {  	s7 =	simm.s32 $0x1BFF;
	s21 =	sshll.u32 s6, $0x1;
	s4 =	sadd.s32 s4, s20  }
0x9c: {  	s22 =	simm.s32 $0x0;
	s5 =	sshll.u32 s5, $0x1;
	s6 =	sadd.s32 s21, s4  }
0x9d: {  	[timem:s22], [sflag:s7] =	dma.local [hbm:s6], s5  }
0x9e: {  	_ =	swait.ge [sflag:s7], s5  }
0x9f: {  	s5 =	ssub.s32 $0x0, s5;
	[sflag:s7] =	ssyncset.done $0x0  }
0xa0: {  	[sflag:s7] =	ssyncadd.s32 s5;
	_ =	sdelay $0x1  }
0xa1: {  	s23 =	simm.s32 $0x1B8B  }
0xa2: {  	_ =	swait.ge [sflag:s23], $0x1  }
0xa3: {  	[sflag:s23] =	ssyncset.done $0x0  }
0xa4: {  	[sflag:s23] =	ssyncadd.s32 $0xFFFFFFFF  }
0xa5: {  	s5 =	sld [smem:$0x0]  }
0xa6: {  	s6 =	sand.u32 $0xFFFFFFFE, s1  }
0xa7: {  	p0 =	sne.s32 s1, s6  }
0xa8: {  	s6 =	sshll.u32 @p0 s6, $0xE  }
0xa9: {  	s6 =	sadd.s32 @p0 $0x11B8D, s6;
	s7 =	sshll.u32 @p0 s5, $0x11  }
0xaa: {  	s6 =	sor.u32 @p0 s7, s6  }
0xab: {  	[sflag:s6] =	ssyncadd.remote.s32 @p0 $0x1;
	_ =	sdelay $0x1  }
0xac: {  	s6 =	simm.s32 @p0 $0x1B8D  }
0xad: {  	_ =	swait.eq @p0 [sflag:s6], $0x1  }
0xae: {  	[sflag:s6] =	ssyncadd.s32 @p0 $0xFFFFFFFF  }
0xaf: {  	s7 =	sshll.u32 @!p0 s1, $0xE  }
0xb0: {  	s7 =	sor.u32 @!p0 $0x4000, s7;
	s6 =	simm.s32 @!p0 $0x1B8D  }
0xb1: {  	s5 =	sshll.u32 @!p0 s5, $0x11;
	s7 =	sadd.s32 @!p0 $0x11B8D, s7;
	_ =	swait.eq @!p0 [sflag:s6], $0x1  }
0xb2: {  	s5 =	sor.u32 @!p0 s5, s7;
	[sflag:s6] =	ssyncadd.s32 @!p0 $0xFFFFFFFF  }
0xb3: {  	s25 =	simm.s32 $0x1B8E;
	s24 =	sld [smem:$0x3FFE];
	[sflag:s5] =	ssyncadd.remote.s32 @!p0 $0x1  }
0xb4: {  	s26 =	simm.s32 $execute0_lowered;
	[smem:$0x3FD2] =	sst s25  }
0xb5: {  	s6 =	sshll.u32 s26, $0x1;
	_ =	strace $0x8000004C;
	[dreg:$0x1] =	wrdreg $0xFFFFFFFF  }
0xb6: {  	s28 =	simm.s32 $_size_execute0_lowered;
	s4 =	sadd.s32 s4, s6;
	[dreg:$0x0] =	wrdreg $0x0  }
0xb7: {  	s6 =	sshll.u32 s28, $0x1;
	[dreg:$0x2] =	wrdreg s4  }
0xb8: {  	[dreg:$0x3] =	wrdreg s6  }
0xb9: {  	[dreg:$0x4] =	wrdreg $0xC0  }
0xba: {  	_ =	task [dreg:s22], $0x5FFFF  }
0xbb: {  	[dreg:$0x1] =	wrdreg $0xFFFFFFFF  }
0xbc: {  	[dreg:$0x0] =	wrdreg $0x60  }
0xbd: {  	[dreg:$0x2] =	wrdreg s18  }
0xbe: {  	[dreg:$0x3] =	wrdreg s24  }
0xbf: {  	[dreg:$0x4] =	wrdreg $0xC  }
0xc0: {  	_ =	task.clear_ibuf [dreg:s22], $0x5FFFF;
	_ =	strace $0x9000004C  }
0xc1: {  	s29 =	simm.s32 $0xC;
	_ =	strace $0x8000004E  }
0xc2: {  	_ =	swait.ge [sflag:s29], $0x1  }
0xc3: {  	[sflag:s29] =	ssyncadd.s32 $0xFFFFFFFF  }
0xc4: {  	_ =	strace $0x9000004E  }
0xc5: {  	_ =	sfence  }
0xc6: {  	s30 =	sld [smem:$0x0];
	_ =	sdelay $0x2  }
0xc7: {  	s31 =	sshll.u32 s1, $0xD;
	s1 =	sshrl.u32 s1, $0x2  }
0xc8: {  	s4 =	sand.u32 $0x4000, s31;
	s1 =	sadd.s32 s1, s30  }
0xc9: {  	s0 =	sor.u32 s4, s0;
	s1 =	sshll.u32 s1, $0x11  }
0xca: {  	s0 =	sor.u32 s1, s0  }
0xcb: {  	s0 =	sadd.s32 $0x8F2B, s0  }
0xcc: {  	[sflag:s0] =	ssyncadd.remote.s32 $0x1  }
0xcd: {  	_ =	sfence.sel $0xFFFF  }
0xce: {  	[dreg:$0x0] =	wrdreg $0xFFFFFFFF;
	(pc) =	sbr.abs _section_cstart, $3  }
0xcf: {  	[dreg:$0x1] =	wrdreg $0xFFFFFFFF  }
0xd0: {  	_ =	task.clear_ibuf [dreg:s22], $0x2FFFF;
	_ =	strace $0x9FFFFFFF  }
0xd1: {  	(tm) =	ssettm $0x7FFFFFFF  }
tec
execute0_lowered:
.L_overlay_start_1:
0x0: {  	(tag) =	ssettag $0x1  }
0x1: {  	s2 =	rddreg [dreg:$0x0]  }
0x2: {  	s4 =	rddreg [dreg:$0x1]  }
0x3: {  	s0 =	rddreg [dreg:$0x2]  }
0x4: {  	s5 =	srdreg.scid;
	s1 =	stileid.u32;
	s3 =	simm.s32 $0x0  }
0x5: {  	s12 =	simm.s32 $0x0;
	s5 =	sand.u32 $0x1, s5;
	s6 =	sshll.u32 s1, $0x1  }
0x6: {  	[smem:$0x7FF] =	sst s3;
	s9 =	smul.u32 $0xD0000, s1;
	s11 =	sadd.s32 $0x35E000, s4  }
0x7: {  	s6 =	sor.u32 s5, s6;
	s8 =	ssub.s32 $0x2, s5;
	s5 =	smul.u32 $0x68000, s5  }
0x8: {  	s7 =	smul.u32 $0x68000, s6;
	s6 =	sshll.u32 s6, $0x9;
	s10 =	sshrl.u32 s8, $0x1  }
0x9: {  	_ =	strace $0x8000004D;
	s6 =	sadd.s32 s6, s4;
	s8 =	ssub.s32 s8, s10  }
0xa: {  	s31 =	sadd.s32 s5, s9;
	s9 =	simm.s32 $0x1000;
	s10 =	simm.s32 $0x2  }
0xb: {  	s7 =	sshrl.u32 s7, $0x3;
	s4 =	sadd.s32 $0x1A000, s6;
	s5 =	smax.u32 s8, $0x1  }
0xc: {  	s8 =	simm.s32 $0x3;
	s30 =	sadd.s32 s11, s7;
	s7 =	sshrl.u32 s31, $0x3  }
0xd: {  	s6 =	sadd.s32 $0xC800, s30;
	s7 =	sadd.s32 s7, s11;
	s11 =	simm.s32 $0x5000  }
.LBB2_1:
0xe: {  	[tilespmem:s3], [sflag:$0x3] =	stream.linear.gather [hbm4b:s4+s3], $0xD00, $0x38;
	[tilespmem:$0x9000] =	vst v63  }
0xf: {  	_ =	swait.ge [sflag:s8], $0xD00  }
0x10: {  	s14 =	sand.u32 $0x1, s3;
	[sflag:s8] =	ssyncset.done $0x0  }
0x11: {  	s13 =	simm.s32 $0x80;
	p0 =	seq.s32 s14, $0x1;
	[sflag:s8] =	ssyncadd.s32 $0xFFFFF300  }
0x12: {  	[tilespmem:s9], [sflag:$0x1] =	stream.indirect.gather [hbm4b:s2+s13], $0x80, s3, s13, $0xb8;
	[tilespmem:$0x9000] =	vst v63  }
0x13: {  	p1 =	seq.s32 s14, $0x0;
	s15 =	simm.s32 @!p0 $0x80;
	s16 =	simm.s32 @!p0 $0x5000  }
0x14: {  	[tilespmem:s16], [sflag:$0x2] =	stream.indirect.gather @!p0 [hbm4b:s2+s15], $0x80, s13, s15, $0xb8;
	[tilespmem:$0x9000] =	vst v63  }
0x15: {  	p2 =	sne.s32 s14, $0x0;
	s15 =	simm.s32 @!p1 $0x80;
	s16 =	simm.s32 @!p1 $0x1000  }
0x16: {  	[tilespmem:s16], [sflag:$0x1] =	stream.indirect.gather @!p1 [hbm4b:s2+s15], $0x80, s13, s15, $0xb8;
	[tilespmem:$0x9000] =	vst v63  }
0x17: {  	s13 =	simm.s32 @!p2 $0x1  }
0x18: {  	_ =	swait.ge @!p2 [sflag:s13], $0x4000  }
0x19: {  	s14 =	simm.s32 @!p2 $0x0;
	[sflag:s13] =	ssyncset.done @!p2 $0x0  }
0x1a: {  	s15 =	simm.s32 @!p2 $0x1000;
	[sflag:s13] =	ssyncadd.s32 @!p2 $0xFFFFC000;
	s13 =	simm.s32 @!p2 $0x4  }
0x1b: {  	[hbm4b:s7+s14] =	stream.linear.scatter @!p2 [tilespmem:s15], [sflag:$0x4], $0x4000, $0x38;
	[tilespmem:$0x9000] =	vst v63  }
0x1c: {  	_ =	swait.ge @!p2 [sflag:s13], $0x4000  }
0x1d: {  	p0 =	por p0, p0;
	[sflag:s13] =	ssyncset.done @!p2 $0x0  }
0x1e: {  	s14 =	simm.s32 @p0 $0x2;
	[sflag:s13] =	ssyncadd.s32 @!p2 $0xFFFFC000  }
0x1f: {  	s31 =	simm.s32 $0x1;
	s17 =	simm.s32 @p0 $0x3;
	_ =	swait.ge @p0 [sflag:s14], $0x4000  }
0x20: {  	s16 =	simm.s32 @p0 $0x5000;
	s15 =	simm.s32 @p0 $0x0;
	[sflag:s14] =	ssyncset.done @p0 $0x0  }
0x21: {  	s13 =	sadd.s32 $0x800, s7;
	[sflag:s14] =	ssyncadd.s32 @p0 $0xFFFFC000;
	s14 =	simm.s32 $0x100  }
0x22: {  	[hbm4b:s7+s15] =	stream.linear.scatter @p0 [tilespmem:s16], [sflag:$0x3], $0x4000, $0x38;
	[tilespmem:$0x9000] =	vst v63  }
0x23: {  	s15 =	simm.s32 $0x2;
	s16 =	sand.u32 $0x1, s31;
	_ =	swait.ge @p0 [sflag:s17], $0x4000  }
.LBB2_2:
0x24: {  	p3 =	seq.s32 s16, $0x1;
	p1 =	seq.s32 s16, $0x0;
	[sflag:s17] =	ssyncset.done @p0 $0x0  }
0x25: {  	s18 =	simm.s32 @!p3 $0x80;
	s19 =	simm.s32 @!p3 $0x5000;
	[sflag:s17] =	ssyncadd.s32 @p0 $0xFFFFC000  }
0x26: {  	[tilespmem:s19], [sflag:$0x2] =	stream.indirect.gather @!p3 [hbm4b:s2+s18], $0x80, s14, s18, $0xb8;
	[tilespmem:$0x9000] =	vst v63  }
0x27: {  	p2 =	sne.s32 s16, $0x0;
	s17 =	simm.s32 @!p1 $0x80;
	s18 =	simm.s32 @!p1 $0x1000  }
0x28: {  	[tilespmem:s18], [sflag:$0x1] =	stream.indirect.gather @!p1 [hbm4b:s2+s17], $0x80, s14, s17, $0xb8;
	[tilespmem:$0x9000] =	vst v63  }
0x29: {  	s16 =	simm.s32 @!p2 $0x1;
	s18 =	smov.u32 s15;
	s15 =	sadd.s32 $0x1, s15  }
0x2a: {  	p0 =	por p3, p3;
	p1 =	sne.s32 s15, $0x19;
	_ =	swait.ge @!p2 [sflag:s16], $0x4000  }
0x2b: {  	s19 =	simm.s32 @!p2 $0x1000;
	s17 =	simm.s32 @!p2 $0x0;
	[sflag:s16] =	ssyncset.done @!p2 $0x0  }
0x2c: {  	[sflag:s16] =	ssyncadd.s32 @!p2 $0xFFFFC000;
	s16 =	simm.s32 @!p2 $0x4  }
0x2d: {  	[hbm4b:s13+s17] =	stream.linear.scatter @!p2 [tilespmem:s19], [sflag:$0x4], $0x4000, $0x38;
	[tilespmem:$0x9000] =	vst v63  }
0x2e: {  	_ =	swait.ge @!p2 [sflag:s16], $0x4000  }
0x2f: {  	s17 =	simm.s32 @p0 $0x2;
	[sflag:s16] =	ssyncset.done @!p2 $0x0  }
0x30: {  	[sflag:s16] =	ssyncadd.s32 @!p2 $0xFFFFC000  }
.Ltmp0:
0x31: {  	_ =	swait.ge @p0 [sflag:s17], $0x4000;
	(pc) =	sbr.rel @p1 .LBB2_2-.Ltmp0, $4  }
0x32: {  	s19 =	simm.s32 @p0 $0x5000;
	s16 =	simm.s32 @p0 $0x0;
	[sflag:s17] =	ssyncset.done @p0 $0x0  }
0x33: {  	s14 =	sadd.s32 $0x80, s14;
	[sflag:s17] =	ssyncadd.s32 @p0 $0xFFFFC000;
	s17 =	simm.s32 @p0 $0x3  }
0x34: {  	[hbm4b:s13+s16] =	stream.linear.scatter @p0 [tilespmem:s19], [sflag:$0x3], $0x4000, $0x38;
	[tilespmem:$0x9000] =	vst v63  }
0x35: {  	s16 =	sand.u32 $0x1, s18;
	s13 =	sadd.s32 $0x800, s13;
	_ =	swait.ge @p0 [sflag:s17], $0x4000  }
0x36: {  	p1 =	seq.s32 s16, $0x1;
	p2 =	seq.s32 s16, $0x0;
	[sflag:s17] =	ssyncset.done @p0 $0x0  }
0x37: {  	s15 =	simm.s32 @!p1 $0x80;
	s18 =	simm.s32 @!p1 $0x5000;
	[sflag:s17] =	ssyncadd.s32 @p0 $0xFFFFC000  }
0x38: {  	[tilespmem:s18], [sflag:$0x2] =	stream.indirect.gather @!p1 [hbm4b:s2+s15], $0x80, s14, s15, $0xb8;
	[tilespmem:$0x9000] =	vst v63  }
0x39: {  	s17 =	simm.s32 @!p2 $0x1000;
	p0 =	sne.s32 s16, $0x0;
	s15 =	simm.s32 @!p2 $0x80  }
0x3a: {  	[tilespmem:s17], [sflag:$0x1] =	stream.indirect.gather @!p2 [hbm4b:s2+s15], $0x80, s14, s15, $0xb8;
	[tilespmem:$0x9000] =	vst v63  }
0x3b: {  	s14 =	simm.s32 @!p0 $0x1  }
0x3c: {  	_ =	swait.ge @!p0 [sflag:s14], $0x4000  }
0x3d: {  	s16 =	simm.s32 @!p0 $0x1000;
	[sflag:s14] =	ssyncset.done @!p0 $0x0  }
0x3e: {  	s15 =	simm.s32 @!p0 $0x0;
	[sflag:s14] =	ssyncadd.s32 @!p0 $0xFFFFC000;
	s14 =	simm.s32 @!p0 $0x4  }
0x3f: {  	[hbm4b:s13+s15] =	stream.linear.scatter @!p0 [tilespmem:s16], [sflag:$0x4], $0x4000, $0x38;
	[tilespmem:$0x9000] =	vst v63  }
0x40: {  	_ =	swait.ge @!p0 [sflag:s14], $0x4000  }
0x41: {  	p1 =	por p1, p1;
	[sflag:s14] =	ssyncset.done @!p0 $0x0  }
0x42: {  	s15 =	simm.s32 @p1 $0x2;
	[sflag:s14] =	ssyncadd.s32 @!p0 $0xFFFFC000  }
0x43: {  	_ =	swait.ge @p1 [sflag:s15], $0x4000  }
0x44: {  	s16 =	simm.s32 @p1 $0x5000;
	[sflag:s15] =	ssyncset.done @p1 $0x0  }
0x45: {  	s14 =	simm.s32 @p1 $0x0;
	[sflag:s15] =	ssyncadd.s32 @p1 $0xFFFFC000;
	s15 =	simm.s32 @p1 $0x3  }
0x46: {  	[hbm4b:s13+s14] =	stream.linear.scatter @p1 [tilespmem:s16], [sflag:$0x3], $0x4000, $0x38;
	[tilespmem:$0x9000] =	vst v63  }
0x47: {  	_ =	swait.ge @p1 [sflag:s15], $0x4000  }
0x48: {  	[sflag:s15] =	ssyncset.done @p1 $0x0  }
0x49: {  	[sflag:s15] =	ssyncadd.s32 @p1 $0xFFFFC000  }
0x4a: {  	s12 =	sadd.s32 $0x1, s12;
	_ =	swait.ge [sflag:s10], $0x4000  }
0x4b: {  	p0 =	sne.s32 s12, s5;
	[sflag:s10] =	ssyncset.done $0x0  }
.Ltmp1:
0x4c: {  	[sflag:s10] =	ssyncadd.s32 $0xFFFFC000;
	(pc) =	sbr.rel @p0 .LBB2_1-.Ltmp1, $4  }
0x4d: {  	[hbm4b:s6+s3] =	stream.linear.scatter [tilespmem:s11], [sflag:$0x3], $0x4000, $0x38;
	[tilespmem:$0x9000] =	vst v63  }
0x4e: {  	_ =	swait.ge [sflag:s8], $0x4000  }
0x4f: {  	[sflag:s8] =	ssyncset.done $0x0  }
0x50: {  	[sflag:s8] =	ssyncadd.s32 $0xFFFFC000  }
0x51: {  	_ =	sfence.sel $0x180000  }
0x52: {  	[bflag:$0x0] =	sbarrier.arrive $0xFFFF  }
0x53: {  	p0 =	sne.s32 s1, $0x0;
	_ =	strace $0x9000004D  }
0x54: {  	s0 =	sadd.s32 @!p0 $0x100000, s0;
	[bflag:$0x2] =	sbarrier.arrive $0xFFFF  }
0x55: {  	[sflag:s0] =	ssyncadd.tile.s32 @!p0 $0x1;
	_ =	shalt  }
.Lfunc_end2:
_tile_overlayer_lowered:
.L_overlay_start_2:
0x56: {  	(tag) =	ssettag $0x2  }
0x57: {  	s0 =	rddreg [dreg:$0x0];
	s2 =	stileid.u32  }
0x58: {  	s1 =	rddreg [dreg:$0x1];
	p0 =	sne.s32 s2, $0x0  }
0x59: {  	s3 =	rddreg [dreg:$0x2];
	[bflag:$0x3] =	sbarrier.arrive $0xFFFF;
	s2 =	simm.s32 @!p0 $0x1C03  }
0x5a: {  	[timem:s3], [sflag:s2] =	dma.local @!p0 [hbm:s0], s1  }
0x5b: {  	s0 =	simm.s32 @!p0 $0x3  }
0x5c: {  	_ =	swait.ge @!p0 [sflag:s0], s1  }
0x5d: {  	s1 =	ssub.s32 @!p0 $0x0, s1;
	[sflag:s0] =	ssyncset.done @!p0 $0x0  }
0x5e: {  	[sflag:s0] =	ssyncadd.s32 @!p0 s1  }
0x5f: {  	[bflag:$0x3] =	sbarrier.arrive $0xFFFF  }
0x60: {  	_ =	shalt  }

</sc_bundles>
